<compile_context>
chip_gen: v7x
topology: tpu7x:2x2x1
jax: 0.10.2.dev20260603
libtpu: 0.0.44.dev20260713+nightly
codegen_flags: <defaults>
</compile_context>

<pallas_src>
import jax
import jax.numpy as jnp
from jax import lax
from jax.experimental import pallas as pl
from jax.experimental.pallas import tpu as pltpu
from jax.experimental.pallas import tpu_sc as plsc

N = 1048576
G = 128
L = 16

_info = plsc.get_sparse_core_info()
_NC, _NS = _info.num_cores, _info.num_subcores
NW = _NC * _NS
PTS = N // NW
CHUNK = 8192
NCHUNK = PTS // CHUNK
UNROLL = 4


def _searchsorted(bp_ref, x, pre):
    bp31, bp63, bp95, bp127 = pre
    c64 = jnp.where(bp63 <= x, 64, 0)
    lvl1 = jnp.where(bp63 <= x, bp95, bp31)
    c = jnp.where(lvl1 <= x, c64 + 32, c64)
    for step in (16, 8, 4, 2, 1):
        probe = c + (step - 1)
        g = plsc.load_gather(bp_ref, [probe])
        c = jnp.where(g <= x, c + step, c)
    return jnp.where(bp127 <= x, G - 1, jnp.maximum(c - 1, 0))


def _preload(bp_v):
    def bcast(i):
        return plsc.load_gather(bp_v, [jnp.full((L,), i, jnp.int32)])
    return bcast(31), bcast(63), bcast(95), bcast(127)


def _body(x0_hbm, x1_hbm, x2_hbm, bp0_hbm, bp1_hbm, bp2_hbm, vals_hbm,
          out_hbm, x0_v, x1_v, x2_v, bp0_v, bp1_v, bp2_v, idx_v, res_v, sem):
    wid = lax.axis_index("s") * _NC + lax.axis_index("c")
    base = wid * PTS

    pltpu.sync_copy(bp0_hbm, bp0_v)
    pltpu.sync_copy(bp1_hbm, bp1_v)
    pltpu.sync_copy(bp2_hbm, bp2_v)
    pre0 = _preload(bp0_v)
    pre1 = _preload(bp1_v)
    pre2 = _preload(bp2_v)

    def chunk_body(ci, _):
        off = base + ci * CHUNK
        pltpu.sync_copy(x0_hbm.at[pl.ds(off, CHUNK)], x0_v)
        pltpu.sync_copy(x1_hbm.at[pl.ds(off, CHUNK)], x1_v)
        pltpu.sync_copy(x2_hbm.at[pl.ds(off, CHUNK)], x2_v)

        def vec_body(vi, _):
            s0 = vi * (L * UNROLL)
            for u in range(UNROLL):
                s = s0 + u * L
                x0 = x0_v[pl.ds(s, L)]
                x1 = x1_v[pl.ds(s, L)]
                x2 = x2_v[pl.ds(s, L)]
                i0 = _searchsorted(bp0_v, x0, pre0)
                i1 = _searchsorted(bp1_v, x1, pre1)
                i2 = _searchsorted(bp2_v, x2, pre2)
                idx_v[pl.ds(s, L)] = (i0 * G + i1) * G + i2
            return 0

        lax.fori_loop(0, CHUNK // (L * UNROLL), vec_body, 0)
        pltpu.async_copy(vals_hbm.at[idx_v], res_v, sem).wait()
        pltpu.sync_copy(res_v, out_hbm.at[pl.ds(off, CHUNK)])
        return 0

    lax.fori_loop(0, NCHUNK, chunk_body, 0)


@jax.jit
def _run(x0, x1, x2, bp_0, bp_1, bp_2, values_flat):
    mesh = plsc.VectorSubcoreMesh(core_axis_name="c", subcore_axis_name="s")
    k = pl.kernel(
        _body,
        out_type=jax.ShapeDtypeStruct((N,), jnp.float32),
        mesh=mesh,
        compiler_params=pltpu.CompilerParams(needs_layout_passes=False),
        scratch_types=[
            pltpu.VMEM((CHUNK,), jnp.float32),
            pltpu.VMEM((CHUNK,), jnp.float32),
            pltpu.VMEM((CHUNK,), jnp.float32),
            pltpu.VMEM((G,), jnp.float32),
            pltpu.VMEM((G,), jnp.float32),
            pltpu.VMEM((G,), jnp.float32),
            pltpu.VMEM((CHUNK,), jnp.int32),
            pltpu.VMEM((CHUNK,), jnp.float32),
            pltpu.SemaphoreType.DMA,
        ],
    )
    return k(x0, x1, x2, bp_0, bp_1, bp_2, values_flat)


def kernel(x0, x1, x2, bp_0, bp_1, bp_2, values):
    return _run(x0, x1, x2, bp_0, bp_1, bp_2, values.reshape(-1))

# --- scband reference (transcript-rebuilt; emitter-appended) ---
"""Pipeline reference for scband-piecewise-ndmodel-54906861912559 (READ-ONLY COPY).

The authoritative reference and input builder live on the scoring server;
editing this copy changes nothing except your own understanding.
"""

import jax, jax.numpy as jnp
import numpy as np

N = 1048576
G = 128

def setup_inputs(seed: int = 0) -> dict:
    key = jax.random.key(seed)
    ks = jax.random.split(key, 7)
    x0 = jax.random.normal(ks[0], (N,), dtype=jnp.float32)
    x1 = jax.random.normal(ks[1], (N,), dtype=jnp.float32)
    x2 = jax.random.normal(ks[2], (N,), dtype=jnp.float32)
    # breakpoints must be sorted ascending (piecewise-constant bin edges)
    bp_0 = jnp.sort(jax.random.uniform(ks[3], (G,), dtype=jnp.float32, minval=-3.0, maxval=3.0))
    bp_1 = jnp.sort(jax.random.uniform(ks[4], (G,), dtype=jnp.float32, minval=-3.0, maxval=3.0))
    bp_2 = jnp.sort(jax.random.uniform(ks[5], (G,), dtype=jnp.float32, minval=-3.0, maxval=3.0))
    values = jax.random.normal(ks[6], (G, G, G), dtype=jnp.float32)
    return {"x0": x0, "x1": x1, "x2": x2, "bp_0": bp_0, "bp_1": bp_1, "bp_2": bp_2, "values": values}

def _bin_idx(x, bp, dim_size):
    # (x.unsqueeze(1) >= bp.unsqueeze(0)).sum(dim=1) - 1, clamped
    idx = jnp.sum((x[:, None] >= bp[None, :]).astype(jnp.int32), axis=1) - 1
    return jnp.clip(idx, 0, dim_size - 1)

def reference(x0, x1, x2, bp_0, bp_1, bp_2, values):
    i0 = _bin_idx(x0, bp_0, values.shape[0])
    i1 = _bin_idx(x1, bp_1, values.shape[1])
    i2 = _bin_idx(x2, bp_2, values.shape[2])
    return values[i0, i1, i2]

if __name__ == "__main__":
    import jax
    _d = setup_inputs()
    print(jax.jit(kernel)(*tuple(_d.values())))

</pallas_src>

<mosaic_0001>
#map = affine_map<(d0, d1) -> (0)>
module attributes {stable_mosaic.version = 14 : i64} {
  func.func @_body(%arg0: i32, %arg1: i32, %arg2: memref<1048576xf32, #tpu.memory_space<hbm>>, %arg3: memref<1048576xf32, #tpu.memory_space<hbm>>, %arg4: memref<1048576xf32, #tpu.memory_space<hbm>>, %arg5: memref<128xf32, #tpu.memory_space<hbm>>, %arg6: memref<128xf32, #tpu.memory_space<hbm>>, %arg7: memref<128xf32, #tpu.memory_space<hbm>>, %arg8: memref<2097152xf32, #tpu.memory_space<hbm>>, %arg9: memref<1048576xf32, #tpu.memory_space<hbm>>, %arg10: memref<8192xf32, #tpu.memory_space<vmem>>, %arg11: memref<8192xf32, #tpu.memory_space<vmem>>, %arg12: memref<8192xf32, #tpu.memory_space<vmem>>, %arg13: memref<128xf32, #tpu.memory_space<vmem>>, %arg14: memref<128xf32, #tpu.memory_space<vmem>>, %arg15: memref<128xf32, #tpu.memory_space<vmem>>, %arg16: memref<8192xi32, #tpu.memory_space<vmem>>, %arg17: memref<8192xf32, #tpu.memory_space<vmem>>, %arg18: memref<!tpu.dma_semaphore, #tpu.memory_space<semaphore_mem>>) attributes {dimension_semantics = [#tpu.dimension_semantics<core_parallel>, #tpu.dimension_semantics<subcore_parallel>], iteration_bounds = array<i64: 2, 16>, scalar_prefetch = 0 : i64, scratch_operands = 9 : i64, tpu.core_type = #tpu.core_type<sc_vector_subcore>, window_params = [{transform_indices = #map}, {transform_indices = #map}, {transform_indices = #map}, {transform_indices = #map}, {transform_indices = #map}, {transform_indices = #map}, {transform_indices = #map}, {transform_indices = #map}]} {
    %mul3A = arith.constant 2 : i32
    %mul3A_0 = arith.muli %arg1, %mul3A : i32
    %add3A = arith.addi %mul3A_0, %arg0 : i32
    %mul3A_1 = arith.constant 32768 : i32
    %mul3A_2 = arith.muli %add3A, %mul3A_1 : i32
    "tpu.region"() ({
      %run_scoped3A = tpu.sem_alloc : memref<!tpu.dma_semaphore, #tpu.memory_space<semaphore_mem>>
      tpu.enqueue_dma source(%arg5 : memref<128xf32, #tpu.memory_space<hbm>>) target(%arg13 : memref<128xf32, #tpu.memory_space<vmem>>) target_semaphore(%run_scoped3A : memref<!tpu.dma_semaphore, #tpu.memory_space<semaphore_mem>>)
      tpu.wait_dma2 semaphore(%run_scoped3A : memref<!tpu.dma_semaphore, #tpu.memory_space<semaphore_mem>>) src(%arg5 : memref<128xf32, #tpu.memory_space<hbm>>) dst(%arg13 : memref<128xf32, #tpu.memory_space<vmem>>)
      tpu.yield
    }) : () -> ()
    "tpu.region"() ({
      %run_scoped3A = tpu.sem_alloc : memref<!tpu.dma_semaphore, #tpu.memory_space<semaphore_mem>>
      tpu.enqueue_dma source(%arg6 : memref<128xf32, #tpu.memory_space<hbm>>) target(%arg14 : memref<128xf32, #tpu.memory_space<vmem>>) target_semaphore(%run_scoped3A : memref<!tpu.dma_semaphore, #tpu.memory_space<semaphore_mem>>)
      tpu.wait_dma2 semaphore(%run_scoped3A : memref<!tpu.dma_semaphore, #tpu.memory_space<semaphore_mem>>) src(%arg6 : memref<128xf32, #tpu.memory_space<hbm>>) dst(%arg14 : memref<128xf32, #tpu.memory_space<vmem>>)
      tpu.yield
    }) : () -> ()
    "tpu.region"() ({
      %run_scoped3A = tpu.sem_alloc : memref<!tpu.dma_semaphore, #tpu.memory_space<semaphore_mem>>
      tpu.enqueue_dma source(%arg7 : memref<128xf32, #tpu.memory_space<hbm>>) target(%arg15 : memref<128xf32, #tpu.memory_space<vmem>>) target_semaphore(%run_scoped3A : memref<!tpu.dma_semaphore, #tpu.memory_space<semaphore_mem>>)
      tpu.wait_dma2 semaphore(%run_scoped3A : memref<!tpu.dma_semaphore, #tpu.memory_space<semaphore_mem>>) src(%arg7 : memref<128xf32, #tpu.memory_space<hbm>>) dst(%arg15 : memref<128xf32, #tpu.memory_space<vmem>>)
      tpu.yield
    }) : () -> ()
    %broadcast_in_dim3A = arith.constant 31 : i32
    %broadcast_in_dim3A_3 = vector.broadcast %broadcast_in_dim3A : i32 to vector<16xi32>
    %gather3A = tpu.vector_load_idx %arg13[%broadcast_in_dim3A_3] : memref<128xf32, #tpu.memory_space<vmem>>[vector<16xi32>], vector<16xf32>,
    %broadcast_in_dim3A_4 = arith.constant 63 : i32
    %broadcast_in_dim3A_5 = vector.broadcast %broadcast_in_dim3A_4 : i32 to vector<16xi32>
    %gather3A_6 = tpu.vector_load_idx %arg13[%broadcast_in_dim3A_5] : memref<128xf32, #tpu.memory_space<vmem>>[vector<16xi32>], vector<16xf32>,
    %broadcast_in_dim3A_7 = arith.constant 95 : i32
    %broadcast_in_dim3A_8 = vector.broadcast %broadcast_in_dim3A_7 : i32 to vector<16xi32>
    %gather3A_9 = tpu.vector_load_idx %arg13[%broadcast_in_dim3A_8] : memref<128xf32, #tpu.memory_space<vmem>>[vector<16xi32>], vector<16xf32>,
    %broadcast_in_dim3A_10 = arith.constant 127 : i32
    %broadcast_in_dim3A_11 = vector.broadcast %broadcast_in_dim3A_10 : i32 to vector<16xi32>
    %gather3A_12 = tpu.vector_load_idx %arg13[%broadcast_in_dim3A_11] : memref<128xf32, #tpu.memory_space<vmem>>[vector<16xi32>], vector<16xf32>,
    %broadcast_in_dim3A_13 = arith.constant 31 : i32
    %broadcast_in_dim3A_14 = vector.broadcast %broadcast_in_dim3A_13 : i32 to vector<16xi32>
    %gather3A_15 = tpu.vector_load_idx %arg14[%broadcast_in_dim3A_14] : memref<128xf32, #tpu.memory_space<vmem>>[vector<16xi32>], vector<16xf32>,
    %broadcast_in_dim3A_16 = arith.constant 63 : i32
    %broadcast_in_dim3A_17 = vector.broadcast %broadcast_in_dim3A_16 : i32 to vector<16xi32>
    %gather3A_18 = tpu.vector_load_idx %arg14[%broadcast_in_dim3A_17] : memref<128xf32, #tpu.memory_space<vmem>>[vector<16xi32>], vector<16xf32>,
    %broadcast_in_dim3A_19 = arith.constant 95 : i32
    %broadcast_in_dim3A_20 = vector.broadcast %broadcast_in_dim3A_19 : i32 to vector<16xi32>
    %gather3A_21 = tpu.vector_load_idx %arg14[%broadcast_in_dim3A_20] : memref<128xf32, #tpu.memory_space<vmem>>[vector<16xi32>], vector<16xf32>,
    %broadcast_in_dim3A_22 = arith.constant 127 : i32
    %broadcast_in_dim3A_23 = vector.broadcast %broadcast_in_dim3A_22 : i32 to vector<16xi32>
    %gather3A_24 = tpu.vector_load_idx %arg14[%broadcast_in_dim3A_23] : memref<128xf32, #tpu.memory_space<vmem>>[vector<16xi32>], vector<16xf32>,
    %broadcast_in_dim3A_25 = arith.constant 31 : i32
    %broadcast_in_dim3A_26 = vector.broadcast %broadcast_in_dim3A_25 : i32 to vector<16xi32>
    %gather3A_27 = tpu.vector_load_idx %arg15[%broadcast_in_dim3A_26] : memref<128xf32, #tpu.memory_space<vmem>>[vector<16xi32>], vector<16xf32>,
    %broadcast_in_dim3A_28 = arith.constant 63 : i32
    %broadcast_in_dim3A_29 = vector.broadcast %broadcast_in_dim3A_28 : i32 to vector<16xi32>
    %gather3A_30 = tpu.vector_load_idx %arg15[%broadcast_in_dim3A_29] : memref<128xf32, #tpu.memory_space<vmem>>[vector<16xi32>], vector<16xf32>,
    %broadcast_in_dim3A_31 = arith.constant 95 : i32
    %broadcast_in_dim3A_32 = vector.broadcast %broadcast_in_dim3A_31 : i32 to vector<16xi32>
    %gather3A_33 = tpu.vector_load_idx %arg15[%broadcast_in_dim3A_32] : memref<128xf32, #tpu.memory_space<vmem>>[vector<16xi32>], vector<16xf32>,
    %broadcast_in_dim3A_34 = arith.constant 127 : i32
    %broadcast_in_dim3A_35 = vector.broadcast %broadcast_in_dim3A_34 : i32 to vector<16xi32>
    %gather3A_36 = tpu.vector_load_idx %arg15[%broadcast_in_dim3A_35] : memref<128xf32, #tpu.memory_space<vmem>>[vector<16xi32>], vector<16xf32>,
    %scan3A = arith.constant 0 : i32
    %scan3A_37 = arith.constant 0 : i32
    %scan3A_38 = arith.constant 4 : i32
    %scan3A_39 = arith.addi %scan3A_37, %scan3A_38 : i32
    %scan3A_40 = arith.constant 1 : i32
    %scan3A_41 = scf.for %scan3A_43 = %scan3A_37 to %scan3A_39 step %scan3A_40 iter_args(%scan3A_44 = %scan3A) -> (i32)  : i32 {
      %mul3A_45 = arith.constant 8192 : i32
      %mul3A_46 = arith.muli %scan3A_43, %mul3A_45 : i32
      %add3A_47 = arith.addi %mul3A_2, %mul3A_46 : i32
      "tpu.region"() ({
        %run_scoped3A = tpu.sem_alloc : memref<!tpu.dma_semaphore, #tpu.memory_space<semaphore_mem>>
        %dma_start3A_58 = tpu.memref_slice %arg2[%add3A_47] : memref<1048576xf32, #tpu.memory_space<hbm>> -> memref<8192xf32, #tpu.memory_space<hbm>>
        %dma_start3A_59 = tpu.memref_slice %arg2[%add3A_47] : memref<1048576xf32, #tpu.memory_space<hbm>> -> memref<8192xf32, #tpu.memory_space<hbm>>
        tpu.enqueue_dma source(%dma_start3A_59 : memref<8192xf32, #tpu.memory_space<hbm>>) target(%arg10 : memref<8192xf32, #tpu.memory_space<vmem>>) target_semaphore(%run_scoped3A : memref<!tpu.dma_semaphore, #tpu.memory_space<semaphore_mem>>)
        %dma_wait3A_60 = tpu.memref_slice %arg2[%add3A_47] : memref<1048576xf32, #tpu.memory_space<hbm>> -> memref<8192xf32, #tpu.memory_space<hbm>>
        %dma_wait3A_61 = tpu.memref_slice %arg2[%add3A_47] : memref<1048576xf32, #tpu.memory_space<hbm>> -> memref<8192xf32, #tpu.memory_space<hbm>>
        tpu.wait_dma2 semaphore(%run_scoped3A : memref<!tpu.dma_semaphore, #tpu.memory_space<semaphore_mem>>) src(%dma_wait3A_61 : memref<8192xf32, #tpu.memory_space<hbm>>) dst(%arg10 : memref<8192xf32, #tpu.memory_space<vmem>>)
        tpu.yield
      }) : () -> ()
      "tpu.region"() ({
        %run_scoped3A = tpu.sem_alloc : memref<!tpu.dma_semaphore, #tpu.memory_space<semaphore_mem>>
        %dma_start3A_58 = tpu.memref_slice %arg3[%add3A_47] : memref<1048576xf32, #tpu.memory_space<hbm>> -> memref<8192xf32, #tpu.memory_space<hbm>>
        %dma_start3A_59 = tpu.memref_slice %arg3[%add3A_47] : memref<1048576xf32, #tpu.memory_space<hbm>> -> memref<8192xf32, #tpu.memory_space<hbm>>
        tpu.enqueue_dma source(%dma_start3A_59 : memref<8192xf32, #tpu.memory_space<hbm>>) target(%arg11 : memref<8192xf32, #tpu.memory_space<vmem>>) target_semaphore(%run_scoped3A : memref<!tpu.dma_semaphore, #tpu.memory_space<semaphore_mem>>)
        %dma_wait3A_60 = tpu.memref_slice %arg3[%add3A_47] : memref<1048576xf32, #tpu.memory_space<hbm>> -> memref<8192xf32, #tpu.memory_space<hbm>>
        %dma_wait3A_61 = tpu.memref_slice %arg3[%add3A_47] : memref<1048576xf32, #tpu.memory_space<hbm>> -> memref<8192xf32, #tpu.memory_space<hbm>>
        tpu.wait_dma2 semaphore(%run_scoped3A : memref<!tpu.dma_semaphore, #tpu.memory_space<semaphore_mem>>) src(%dma_wait3A_61 : memref<8192xf32, #tpu.memory_space<hbm>>) dst(%arg11 : memref<8192xf32, #tpu.memory_space<vmem>>)
        tpu.yield
      }) : () -> ()
      "tpu.region"() ({
        %run_scoped3A = tpu.sem_alloc : memref<!tpu.dma_semaphore, #tpu.memory_space<semaphore_mem>>
        %dma_start3A_58 = tpu.memref_slice %arg4[%add3A_47] : memref<1048576xf32, #tpu.memory_space<hbm>> -> memref<8192xf32, #tpu.memory_space<hbm>>
        %dma_start3A_59 = tpu.memref_slice %arg4[%add3A_47] : memref<1048576xf32, #tpu.memory_space<hbm>> -> memref<8192xf32, #tpu.memory_space<hbm>>
        tpu.enqueue_dma source(%dma_start3A_59 : memref<8192xf32, #tpu.memory_space<hbm>>) target(%arg12 : memref<8192xf32, #tpu.memory_space<vmem>>) target_semaphore(%run_scoped3A : memref<!tpu.dma_semaphore, #tpu.memory_space<semaphore_mem>>)
        %dma_wait3A_60 = tpu.memref_slice %arg4[%add3A_47] : memref<1048576xf32, #tpu.memory_space<hbm>> -> memref<8192xf32, #tpu.memory_space<hbm>>
        %dma_wait3A_61 = tpu.memref_slice %arg4[%add3A_47] : memref<1048576xf32, #tpu.memory_space<hbm>> -> memref<8192xf32, #tpu.memory_space<hbm>>
        tpu.wait_dma2 semaphore(%run_scoped3A : memref<!tpu.dma_semaphore, #tpu.memory_space<semaphore_mem>>) src(%dma_wait3A_61 : memref<8192xf32, #tpu.memory_space<hbm>>) dst(%arg12 : memref<8192xf32, #tpu.memory_space<vmem>>)
        tpu.yield
      }) : () -> ()
      %scan3A_48 = arith.constant 0 : i32
      %scan3A_49 = arith.constant 0 : i32
      %scan3A_50 = arith.constant 128 : i32
      %scan3A_51 = arith.addi %scan3A_49, %scan3A_50 : i32
      %scan3A_52 = arith.constant 1 : i32
      %scan3A_53 = scf.for %scan3A_58 = %scan3A_49 to %scan3A_51 step %scan3A_52 iter_args(%scan3A_59 = %scan3A_48) -> (i32)  : i32 {
        %mul3A_60 = arith.constant 64 : i32
        %mul3A_61 = arith.muli %scan3A_58, %mul3A_60 : i32
        %add3A_62 = arith.constant 0 : i32
        %add3A_63 = arith.addi %mul3A_61, %add3A_62 : i32
        %get3A = arith.index_cast %add3A_63 : i32 to index
        %get3A_64 = tpu.vector_load %arg10[%get3A] {strides = array<i32>} : memref<8192xf32, #tpu.memory_space<vmem>>, vector<16xf32>,
        %get3A_65 = arith.index_cast %add3A_63 : i32 to index
        %get3A_66 = tpu.vector_load %arg11[%get3A_65] {strides = array<i32>} : memref<8192xf32, #tpu.memory_space<vmem>>, vector<16xf32>,
        %get3A_67 = arith.index_cast %add3A_63 : i32 to index
        %get3A_68 = tpu.vector_load %arg12[%get3A_67] {strides = array<i32>} : memref<8192xf32, #tpu.memory_space<vmem>>, vector<16xf32>,
        %le3A = arith.cmpf ole, %gather3A_6, %get3A_64 : vector<16xf32>
        %jit3A = arith.constant 64 : i32
        %jit3A_69 = arith.constant 0 : i32
        %broadcast_in_dim3A_70 = vector.broadcast %jit3A : i32 to vector<16xi32>
        %broadcast_in_dim3A_71 = vector.broadcast %jit3A_69 : i32 to vector<16xi32>
        %select_n3A = arith.select %le3A, %broadcast_in_dim3A_70, %broadcast_in_dim3A_71 : vector<16xi1>, vector<16xi32>
        %le3A_72 = arith.cmpf ole, %gather3A_6, %get3A_64 : vector<16xf32>
        %select_n3A_73 = arith.select %le3A_72, %gather3A_9, %gather3A : vector<16xi1>, vector<16xf32>
        %le3A_74 = arith.cmpf ole, %select_n3A_73, %get3A_64 : vector<16xf32>
        %add3A_75 = arith.constant 32 : i32
        %add3A_76 = vector.broadcast %add3A_75 : i32 to vector<16xi32>
        %add3A_77 = arith.addi %select_n3A, %add3A_76 : vector<16xi32>
        %select_n3A_78 = arith.select %le3A_74, %add3A_77, %select_n3A : vector<16xi1>, vector<16xi32>
        %add3A_79 = arith.constant 15 : i32
        %add3A_80 = vector.broadcast %add3A_79 : i32 to vector<16xi32>
        %add3A_81 = arith.addi %select_n3A_78, %add3A_80 : vector<16xi32>
        %gather3A_82 = tpu.vector_load_idx %arg13[%add3A_81] : memref<128xf32, #tpu.memory_space<vmem>>[vector<16xi32>], vector<16xf32>,
        %le3A_83 = arith.cmpf ole, %gather3A_82, %get3A_64 : vector<16xf32>
        %add3A_84 = arith.constant 16 : i32
        %add3A_85 = vector.broadcast %add3A_84 : i32 to vector<16xi32>
        %add3A_86 = arith.addi %select_n3A_78, %add3A_85 : vector<16xi32>
        %select_n3A_87 = arith.select %le3A_83, %add3A_86, %select_n3A_78 : vector<16xi1>, vector<16xi32>
        %add3A_88 = arith.constant 7 : i32
        %add3A_89 = vector.broadcast %add3A_88 : i32 to vector<16xi32>
        %add3A_90 = arith.addi %select_n3A_87, %add3A_89 : vector<16xi32>
        %gather3A_91 = tpu.vector_load_idx %arg13[%add3A_90] : memref<128xf32, #tpu.memory_space<vmem>>[vector<16xi32>], vector<16xf32>,
        %le3A_92 = arith.cmpf ole, %gather3A_91, %get3A_64 : vector<16xf32>
        %add3A_93 = arith.constant 8 : i32
        %add3A_94 = vector.broadcast %add3A_93 : i32 to vector<16xi32>
        %add3A_95 = arith.addi %select_n3A_87, %add3A_94 : vector<16xi32>
        %select_n3A_96 = arith.select %le3A_92, %add3A_95, %select_n3A_87 : vector<16xi1>, vector<16xi32>
        %add3A_97 = arith.constant 3 : i32
        %add3A_98 = vector.broadcast %add3A_97 : i32 to vector<16xi32>
        %add3A_99 = arith.addi %select_n3A_96, %add3A_98 : vector<16xi32>
        %gather3A_100 = tpu.vector_load_idx %arg13[%add3A_99] : memref<128xf32, #tpu.memory_space<vmem>>[vector<16xi32>], vector<16xf32>,
        %le3A_101 = arith.cmpf ole, %gather3A_100, %get3A_64 : vector<16xf32>
        %add3A_102 = arith.constant 4 : i32
        %add3A_103 = vector.broadcast %add3A_102 : i32 to vector<16xi32>
        %add3A_104 = arith.addi %select_n3A_96, %add3A_103 : vector<16xi32>
        %select_n3A_105 = arith.select %le3A_101, %add3A_104, %select_n3A_96 : vector<16xi1>, vector<16xi32>
        %add3A_106 = arith.constant 1 : i32
        %add3A_107 = vector.broadcast %add3A_106 : i32 to vector<16xi32>
        %add3A_108 = arith.addi %select_n3A_105, %add3A_107 : vector<16xi32>
        %gather3A_109 = tpu.vector_load_idx %arg13[%add3A_108] : memref<128xf32, #tpu.memory_space<vmem>>[vector<16xi32>], vector<16xf32>,
        %le3A_110 = arith.cmpf ole, %gather3A_109, %get3A_64 : vector<16xf32>
        %add3A_111 = arith.constant 2 : i32
        %add3A_112 = vector.broadcast %add3A_111 : i32 to vector<16xi32>
        %add3A_113 = arith.addi %select_n3A_105, %add3A_112 : vector<16xi32>
        %select_n3A_114 = arith.select %le3A_110, %add3A_113, %select_n3A_105 : vector<16xi1>, vector<16xi32>
        %add3A_115 = arith.constant 0 : i32
        %add3A_116 = vector.broadcast %add3A_115 : i32 to vector<16xi32>
        %add3A_117 = arith.addi %select_n3A_114, %add3A_116 : vector<16xi32>
        %gather3A_118 = tpu.vector_load_idx %arg13[%add3A_117] : memref<128xf32, #tpu.memory_space<vmem>>[vector<16xi32>], vector<16xf32>,
        %le3A_119 = arith.cmpf ole, %gather3A_118, %get3A_64 : vector<16xf32>
        %add3A_120 = arith.constant 1 : i32
        %add3A_121 = vector.broadcast %add3A_120 : i32 to vector<16xi32>
        %add3A_122 = arith.addi %select_n3A_114, %add3A_121 : vector<16xi32>
        %select_n3A_123 = arith.select %le3A_119, %add3A_122, %select_n3A_114 : vector<16xi1>, vector<16xi32>
        %le3A_124 = arith.cmpf ole, %gather3A_12, %get3A_64 : vector<16xf32>
        %sub3A = arith.constant 1 : i32
        %sub3A_125 = vector.broadcast %sub3A : i32 to vector<16xi32>
        %sub3A_126 = arith.subi %select_n3A_123, %sub3A_125 : vector<16xi32>
        %max3A = arith.constant 0 : i32
        %max3A_127 = vector.broadcast %max3A : i32 to vector<16xi32>
        %max3A_128 = arith.maxsi %sub3A_126, %max3A_127 : vector<16xi32>
        %jit3A_129 = arith.constant 127 : i32
        %broadcast_in_dim3A_130 = vector.broadcast %jit3A_129 : i32 to vector<16xi32>
        %select_n3A_131 = arith.select %le3A_124, %broadcast_in_dim3A_130, %max3A_128 : vector<16xi1>, vector<16xi32>
        %le3A_132 = arith.cmpf ole, %gather3A_18, %get3A_66 : vector<16xf32>
        %jit3A_133 = arith.constant 64 : i32
        %jit3A_134 = arith.constant 0 : i32
        %broadcast_in_dim3A_135 = vector.broadcast %jit3A_133 : i32 to vector<16xi32>
        %broadcast_in_dim3A_136 = vector.broadcast %jit3A_134 : i32 to vector<16xi32>
        %select_n3A_137 = arith.select %le3A_132, %broadcast_in_dim3A_135, %broadcast_in_dim3A_136 : vector<16xi1>, vector<16xi32>
        %le3A_138 = arith.cmpf ole, %gather3A_18, %get3A_66 : vector<16xf32>
        %select_n3A_139 = arith.select %le3A_138, %gather3A_21, %gather3A_15 : vector<16xi1>, vector<16xf32>
        %le3A_140 = arith.cmpf ole, %select_n3A_139, %get3A_66 : vector<16xf32>
        %add3A_141 = arith.constant 32 : i32
        %add3A_142 = vector.broadcast %add3A_141 : i32 to vector<16xi32>
        %add3A_143 = arith.addi %select_n3A_137, %add3A_142 : vector<16xi32>
        %select_n3A_144 = arith.select %le3A_140, %add3A_143, %select_n3A_137 : vector<16xi1>, vector<16xi32>
        %add3A_145 = arith.constant 15 : i32
        %add3A_146 = vector.broadcast %add3A_145 : i32 to vector<16xi32>
        %add3A_147 = arith.addi %select_n3A_144, %add3A_146 : vector<16xi32>
        %gather3A_148 = tpu.vector_load_idx %arg14[%add3A_147] : memref<128xf32, #tpu.memory_space<vmem>>[vector<16xi32>], vector<16xf32>,
        %le3A_149 = arith.cmpf ole, %gather3A_148, %get3A_66 : vector<16xf32>
        %add3A_150 = arith.constant 16 : i32
        %add3A_151 = vector.broadcast %add3A_150 : i32 to vector<16xi32>
        %add3A_152 = arith.addi %select_n3A_144, %add3A_151 : vector<16xi32>
        %select_n3A_153 = arith.select %le3A_149, %add3A_152, %select_n3A_144 : vector<16xi1>, vector<16xi32>
        %add3A_154 = arith.constant 7 : i32
        %add3A_155 = vector.broadcast %add3A_154 : i32 to vector<16xi32>
        %add3A_156 = arith.addi %select_n3A_153, %add3A_155 : vector<16xi32>
        %gather3A_157 = tpu.vector_load_idx %arg14[%add3A_156] : memref<128xf32, #tpu.memory_space<vmem>>[vector<16xi32>], vector<16xf32>,
        %le3A_158 = arith.cmpf ole, %gather3A_157, %get3A_66 : vector<16xf32>
        %add3A_159 = arith.constant 8 : i32
        %add3A_160 = vector.broadcast %add3A_159 : i32 to vector<16xi32>
        %add3A_161 = arith.addi %select_n3A_153, %add3A_160 : vector<16xi32>
        %select_n3A_162 = arith.select %le3A_158, %add3A_161, %select_n3A_153 : vector<16xi1>, vector<16xi32>
        %add3A_163 = arith.constant 3 : i32
        %add3A_164 = vector.broadcast %add3A_163 : i32 to vector<16xi32>
        %add3A_165 = arith.addi %select_n3A_162, %add3A_164 : vector<16xi32>
        %gather3A_166 = tpu.vector_load_idx %arg14[%add3A_165] : memref<128xf32, #tpu.memory_space<vmem>>[vector<16xi32>], vector<16xf32>,
        %le3A_167 = arith.cmpf ole, %gather3A_166, %get3A_66 : vector<16xf32>
        %add3A_168 = arith.constant 4 : i32
        %add3A_169 = vector.broadcast %add3A_168 : i32 to vector<16xi32>
        %add3A_170 = arith.addi %select_n3A_162, %add3A_169 : vector<16xi32>
        %select_n3A_171 = arith.select %le3A_167, %add3A_170, %select_n3A_162 : vector<16xi1>, vector<16xi32>
        %add3A_172 = arith.constant 1 : i32
        %add3A_173 = vector.broadcast %add3A_172 : i32 to vector<16xi32>
        %add3A_174 = arith.addi %select_n3A_171, %add3A_173 : vector<16xi32>
        %gather3A_175 = tpu.vector_load_idx %arg14[%add3A_174] : memref<128xf32, #tpu.memory_space<vmem>>[vector<16xi32>], vector<16xf32>,
        %le3A_176 = arith.cmpf ole, %gather3A_175, %get3A_66 : vector<16xf32>
        %add3A_177 = arith.constant 2 : i32
        %add3A_178 = vector.broadcast %add3A_177 : i32 to vector<16xi32>
        %add3A_179 = arith.addi %select_n3A_171, %add3A_178 : vector<16xi32>
        %select_n3A_180 = arith.select %le3A_176, %add3A_179, %select_n3A_171 : vector<16xi1>, vector<16xi32>
        %add3A_181 = arith.constant 0 : i32
        %add3A_182 = vector.broadcast %add3A_181 : i32 to vector<16xi32>
        %add3A_183 = arith.addi %select_n3A_180, %add3A_182 : vector<16xi32>
        %gather3A_184 = tpu.vector_load_idx %arg14[%add3A_183] : memref<128xf32, #tpu.memory_space<vmem>>[vector<16xi32>], vector<16xf32>,
        %le3A_185 = arith.cmpf ole, %gather3A_184, %get3A_66 : vector<16xf32>
        %add3A_186 = arith.constant 1 : i32
        %add3A_187 = vector.broadcast %add3A_186 : i32 to vector<16xi32>
        %add3A_188 = arith.addi %select_n3A_180, %add3A_187 : vector<16xi32>
        %select_n3A_189 = arith.select %le3A_185, %add3A_188, %select_n3A_180 : vector<16xi1>, vector<16xi32>
        %le3A_190 = arith.cmpf ole, %gather3A_24, %get3A_66 : vector<16xf32>
        %sub3A_191 = arith.constant 1 : i32
        %sub3A_192 = vector.broadcast %sub3A_191 : i32 to vector<16xi32>
        %sub3A_193 = arith.subi %select_n3A_189, %sub3A_192 : vector<16xi32>
        %max3A_194 = arith.constant 0 : i32
        %max3A_195 = vector.broadcast %max3A_194 : i32 to vector<16xi32>
        %max3A_196 = arith.maxsi %sub3A_193, %max3A_195 : vector<16xi32>
        %jit3A_197 = arith.constant 127 : i32
        %broadcast_in_dim3A_198 = vector.broadcast %jit3A_197 : i32 to vector<16xi32>
        %select_n3A_199 = arith.select %le3A_190, %broadcast_in_dim3A_198, %max3A_196 : vector<16xi1>, vector<16xi32>
        %le3A_200 = arith.cmpf ole, %gather3A_30, %get3A_68 : vector<16xf32>
        %jit3A_201 = arith.constant 64 : i32
        %jit3A_202 = arith.constant 0 : i32
        %broadcast_in_dim3A_203 = vector.broadcast %jit3A_201 : i32 to vector<16xi32>
        %broadcast_in_dim3A_204 = vector.broadcast %jit3A_202 : i32 to vector<16xi32>
        %select_n3A_205 = arith.select %le3A_200, %broadcast_in_dim3A_203, %broadcast_in_dim3A_204 : vector<16xi1>, vector<16xi32>
        %le3A_206 = arith.cmpf ole, %gather3A_30, %get3A_68 : vector<16xf32>
        %select_n3A_207 = arith.select %le3A_206, %gather3A_33, %gather3A_27 : vector<16xi1>, vector<16xf32>
        %le3A_208 = arith.cmpf ole, %select_n3A_207, %get3A_68 : vector<16xf32>
        %add3A_209 = arith.constant 32 : i32
        %add3A_210 = vector.broadcast %add3A_209 : i32 to vector<16xi32>
        %add3A_211 = arith.addi %select_n3A_205, %add3A_210 : vector<16xi32>
        %select_n3A_212 = arith.select %le3A_208, %add3A_211, %select_n3A_205 : vector<16xi1>, vector<16xi32>
        %add3A_213 = arith.constant 15 : i32
        %add3A_214 = vector.broadcast %add3A_213 : i32 to vector<16xi32>
        %add3A_215 = arith.addi %select_n3A_212, %add3A_214 : vector<16xi32>
        %gather3A_216 = tpu.vector_load_idx %arg15[%add3A_215] : memref<128xf32, #tpu.memory_space<vmem>>[vector<16xi32>], vector<16xf32>,
        %le3A_217 = arith.cmpf ole, %gather3A_216, %get3A_68 : vector<16xf32>
        %add3A_218 = arith.constant 16 : i32
        %add3A_219 = vector.broadcast %add3A_218 : i32 to vector<16xi32>
        %add3A_220 = arith.addi %select_n3A_212, %add3A_219 : vector<16xi32>
        %select_n3A_221 = arith.select %le3A_217, %add3A_220, %select_n3A_212 : vector<16xi1>, vector<16xi32>
        %add3A_222 = arith.constant 7 : i32
        %add3A_223 = vector.broadcast %add3A_222 : i32 to vector<16xi32>
        %add3A_224 = arith.addi %select_n3A_221, %add3A_223 : vector<16xi32>
        %gather3A_225 = tpu.vector_load_idx %arg15[%add3A_224] : memref<128xf32, #tpu.memory_space<vmem>>[vector<16xi32>], vector<16xf32>,
        %le3A_226 = arith.cmpf ole, %gather3A_225, %get3A_68 : vector<16xf32>
        %add3A_227 = arith.constant 8 : i32
        %add3A_228 = vector.broadcast %add3A_227 : i32 to vector<16xi32>
        %add3A_229 = arith.addi %select_n3A_221, %add3A_228 : vector<16xi32>
        %select_n3A_230 = arith.select %le3A_226, %add3A_229, %select_n3A_221 : vector<16xi1>, vector<16xi32>
        %add3A_231 = arith.constant 3 : i32
        %add3A_232 = vector.broadcast %add3A_231 : i32 to vector<16xi32>
        %add3A_233 = arith.addi %select_n3A_230, %add3A_232 : vector<16xi32>
        %gather3A_234 = tpu.vector_load_idx %arg15[%add3A_233] : memref<128xf32, #tpu.memory_space<vmem>>[vector<16xi32>], vector<16xf32>,
        %le3A_235 = arith.cmpf ole, %gather3A_234, %get3A_68 : vector<16xf32>
        %add3A_236 = arith.constant 4 : i32
        %add3A_237 = vector.broadcast %add3A_236 : i32 to vector<16xi32>
        %add3A_238 = arith.addi %select_n3A_230, %add3A_237 : vector<16xi32>
        %select_n3A_239 = arith.select %le3A_235, %add3A_238, %select_n3A_230 : vector<16xi1>, vector<16xi32>
        %add3A_240 = arith.constant 1 : i32
        %add3A_241 = vector.broadcast %add3A_240 : i32 to vector<16xi32>
        %add3A_242 = arith.addi %select_n3A_239, %add3A_241 : vector<16xi32>
        %gather3A_243 = tpu.vector_load_idx %arg15[%add3A_242] : memref<128xf32, #tpu.memory_space<vmem>>[vector<16xi32>], vector<16xf32>,
        %le3A_244 = arith.cmpf ole, %gather3A_243, %get3A_68 : vector<16xf32>
        %add3A_245 = arith.constant 2 : i32
        %add3A_246 = vector.broadcast %add3A_245 : i32 to vector<16xi32>
        %add3A_247 = arith.addi %select_n3A_239, %add3A_246 : vector<16xi32>
        %select_n3A_248 = arith.select %le3A_244, %add3A_247, %select_n3A_239 : vector<16xi1>, vector<16xi32>
        %add3A_249 = arith.constant 0 : i32
        %add3A_250 = vector.broadcast %add3A_249 : i32 to vector<16xi32>
        %add3A_251 = arith.addi %select_n3A_248, %add3A_250 : vector<16xi32>
        %gather3A_252 = tpu.vector_load_idx %arg15[%add3A_251] : memref<128xf32, #tpu.memory_space<vmem>>[vector<16xi32>], vector<16xf32>,
        %le3A_253 = arith.cmpf ole, %gather3A_252, %get3A_68 : vector<16xf32>
        %add3A_254 = arith.constant 1 : i32
        %add3A_255 = vector.broadcast %add3A_254 : i32 to vector<16xi32>
        %add3A_256 = arith.addi %select_n3A_248, %add3A_255 : vector<16xi32>
        %select_n3A_257 = arith.select %le3A_253, %add3A_256, %select_n3A_248 : vector<16xi1>, vector<16xi32>
        %le3A_258 = arith.cmpf ole, %gather3A_36, %get3A_68 : vector<16xf32>
        %sub3A_259 = arith.constant 1 : i32
        %sub3A_260 = vector.broadcast %sub3A_259 : i32 to vector<16xi32>
        %sub3A_261 = arith.subi %select_n3A_257, %sub3A_260 : vector<16xi32>
        %max3A_262 = arith.constant 0 : i32
        %max3A_263 = vector.broadcast %max3A_262 : i32 to vector<16xi32>
        %max3A_264 = arith.maxsi %sub3A_261, %max3A_263 : vector<16xi32>
        %jit3A_265 = arith.constant 127 : i32
        %broadcast_in_dim3A_266 = vector.broadcast %jit3A_265 : i32 to vector<16xi32>
        %select_n3A_267 = arith.select %le3A_258, %broadcast_in_dim3A_266, %max3A_264 : vector<16xi1>, vector<16xi32>
        %mul3A_268 = arith.constant 128 : i32
        %mul3A_269 = vector.broadcast %mul3A_268 : i32 to vector<16xi32>
        %mul3A_270 = arith.muli %select_n3A_131, %mul3A_269 : vector<16xi32>
        %add3A_271 = arith.addi %mul3A_270, %select_n3A_199 : vector<16xi32>
        %mul3A_272 = arith.constant 128 : i32
        %mul3A_273 = vector.broadcast %mul3A_272 : i32 to vector<16xi32>
        %mul3A_274 = arith.muli %add3A_271, %mul3A_273 : vector<16xi32>
        %add3A_275 = arith.addi %mul3A_274, %select_n3A_267 : vector<16xi32>
        %swap3A = arith.index_cast %add3A_63 : i32 to index
        %swap3A_276 = tpu.vector_load %arg16[%swap3A] {strides = array<i32>} : memref<8192xi32, #tpu.memory_space<vmem>>, vector<16xi32>,
        tpu.vector_store %arg16[%swap3A], %add3A_275 {strides = array<i32>} : memref<8192xi32, #tpu.memory_space<vmem>>, vector<16xi32>,
        %add3A_277 = arith.constant 16 : i32
        %add3A_278 = arith.addi %mul3A_61, %add3A_277 : i32
        %get3A_279 = arith.index_cast %add3A_278 : i32 to index
        %get3A_280 = tpu.vector_load %arg10[%get3A_279] {strides = array<i32>} : memref<8192xf32, #tpu.memory_space<vmem>>, vector<16xf32>,
        %get3A_281 = arith.index_cast %add3A_278 : i32 to index
        %get3A_282 = tpu.vector_load %arg11[%get3A_281] {strides = array<i32>} : memref<8192xf32, #tpu.memory_space<vmem>>, vector<16xf32>,
        %get3A_283 = arith.index_cast %add3A_278 : i32 to index
        %get3A_284 = tpu.vector_load %arg12[%get3A_283] {strides = array<i32>} : memref<8192xf32, #tpu.memory_space<vmem>>, vector<16xf32>,
        %le3A_285 = arith.cmpf ole, %gather3A_6, %get3A_280 : vector<16xf32>
        %jit3A_286 = arith.constant 64 : i32
        %jit3A_287 = arith.constant 0 : i32
        %broadcast_in_dim3A_288 = vector.broadcast %jit3A_286 : i32 to vector<16xi32>
        %broadcast_in_dim3A_289 = vector.broadcast %jit3A_287 : i32 to vector<16xi32>
        %select_n3A_290 = arith.select %le3A_285, %broadcast_in_dim3A_288, %broadcast_in_dim3A_289 : vector<16xi1>, vector<16xi32>
        %le3A_291 = arith.cmpf ole, %gather3A_6, %get3A_280 : vector<16xf32>
        %select_n3A_292 = arith.select %le3A_291, %gather3A_9, %gather3A : vector<16xi1>, vector<16xf32>
        %le3A_293 = arith.cmpf ole, %select_n3A_292, %get3A_280 : vector<16xf32>
        %add3A_294 = arith.constant 32 : i32
        %add3A_295 = vector.broadcast %add3A_294 : i32 to vector<16xi32>
        %add3A_296 = arith.addi %select_n3A_290, %add3A_295 : vector<16xi32>
        %select_n3A_297 = arith.select %le3A_293, %add3A_296, %select_n3A_290 : vector<16xi1>, vector<16xi32>
        %add3A_298 = arith.constant 15 : i32
        %add3A_299 = vector.broadcast %add3A_298 : i32 to vector<16xi32>
        %add3A_300 = arith.addi %select_n3A_297, %add3A_299 : vector<16xi32>
        %gather3A_301 = tpu.vector_load_idx %arg13[%add3A_300] : memref<128xf32, #tpu.memory_space<vmem>>[vector<16xi32>], vector<16xf32>,
        %le3A_302 = arith.cmpf ole, %gather3A_301, %get3A_280 : vector<16xf32>
        %add3A_303 = arith.constant 16 : i32
        %add3A_304 = vector.broadcast %add3A_303 : i32 to vector<16xi32>
        %add3A_305 = arith.addi %select_n3A_297, %add3A_304 : vector<16xi32>
        %select_n3A_306 = arith.select %le3A_302, %add3A_305, %select_n3A_297 : vector<16xi1>, vector<16xi32>
        %add3A_307 = arith.constant 7 : i32
        %add3A_308 = vector.broadcast %add3A_307 : i32 to vector<16xi32>
        %add3A_309 = arith.addi %select_n3A_306, %add3A_308 : vector<16xi32>
        %gather3A_310 = tpu.vector_load_idx %arg13[%add3A_309] : memref<128xf32, #tpu.memory_space<vmem>>[vector<16xi32>], vector<16xf32>,
        %le3A_311 = arith.cmpf ole, %gather3A_310, %get3A_280 : vector<16xf32>
        %add3A_312 = arith.constant 8 : i32
        %add3A_313 = vector.broadcast %add3A_312 : i32 to vector<16xi32>
        %add3A_314 = arith.addi %select_n3A_306, %add3A_313 : vector<16xi32>
        %select_n3A_315 = arith.select %le3A_311, %add3A_314, %select_n3A_306 : vector<16xi1>, vector<16xi32>
        %add3A_316 = arith.constant 3 : i32
        %add3A_317 = vector.broadcast %add3A_316 : i32 to vector<16xi32>
        %add3A_318 = arith.addi %select_n3A_315, %add3A_317 : vector<16xi32>
        %gather3A_319 = tpu.vector_load_idx %arg13[%add3A_318] : memref<128xf32, #tpu.memory_space<vmem>>[vector<16xi32>], vector<16xf32>,
        %le3A_320 = arith.cmpf ole, %gather3A_319, %get3A_280 : vector<16xf32>
        %add3A_321 = arith.constant 4 : i32
        %add3A_322 = vector.broadcast %add3A_321 : i32 to vector<16xi32>
        %add3A_323 = arith.addi %select_n3A_315, %add3A_322 : vector<16xi32>
        %select_n3A_324 = arith.select %le3A_320, %add3A_323, %select_n3A_315 : vector<16xi1>, vector<16xi32>
        %add3A_325 = arith.constant 1 : i32
        %add3A_326 = vector.broadcast %add3A_325 : i32 to vector<16xi32>
        %add3A_327 = arith.addi %select_n3A_324, %add3A_326 : vector<16xi32>
        %gather3A_328 = tpu.vector_load_idx %arg13[%add3A_327] : memref<128xf32, #tpu.memory_space<vmem>>[vector<16xi32>], vector<16xf32>,
        %le3A_329 = arith.cmpf ole, %gather3A_328, %get3A_280 : vector<16xf32>
        %add3A_330 = arith.constant 2 : i32
        %add3A_331 = vector.broadcast %add3A_330 : i32 to vector<16xi32>
        %add3A_332 = arith.addi %select_n3A_324, %add3A_331 : vector<16xi32>
        %select_n3A_333 = arith.select %le3A_329, %add3A_332, %select_n3A_324 : vector<16xi1>, vector<16xi32>
        %add3A_334 = arith.constant 0 : i32
        %add3A_335 = vector.broadcast %add3A_334 : i32 to vector<16xi32>
        %add3A_336 = arith.addi %select_n3A_333, %add3A_335 : vector<16xi32>
        %gather3A_337 = tpu.vector_load_idx %arg13[%add3A_336] : memref<128xf32, #tpu.memory_space<vmem>>[vector<16xi32>], vector<16xf32>,
        %le3A_338 = arith.cmpf ole, %gather3A_337, %get3A_280 : vector<16xf32>
        %add3A_339 = arith.constant 1 : i32
        %add3A_340 = vector.broadcast %add3A_339 : i32 to vector<16xi32>
        %add3A_341 = arith.addi %select_n3A_333, %add3A_340 : vector<16xi32>
        %select_n3A_342 = arith.select %le3A_338, %add3A_341, %select_n3A_333 : vector<16xi1>, vector<16xi32>
        %le3A_343 = arith.cmpf ole, %gather3A_12, %get3A_280 : vector<16xf32>
        %sub3A_344 = arith.constant 1 : i32
        %sub3A_345 = vector.broadcast %sub3A_344 : i32 to vector<16xi32>
        %sub3A_346 = arith.subi %select_n3A_342, %sub3A_345 : vector<16xi32>
        %max3A_347 = arith.constant 0 : i32
        %max3A_348 = vector.broadcast %max3A_347 : i32 to vector<16xi32>
        %max3A_349 = arith.maxsi %sub3A_346, %max3A_348 : vector<16xi32>
        %jit3A_350 = arith.constant 127 : i32
        %broadcast_in_dim3A_351 = vector.broadcast %jit3A_350 : i32 to vector<16xi32>
        %select_n3A_352 = arith.select %le3A_343, %broadcast_in_dim3A_351, %max3A_349 : vector<16xi1>, vector<16xi32>
        %le3A_353 = arith.cmpf ole, %gather3A_18, %get3A_282 : vector<16xf32>
        %jit3A_354 = arith.constant 64 : i32
        %jit3A_355 = arith.constant 0 : i32
        %broadcast_in_dim3A_356 = vector.broadcast %jit3A_354 : i32 to vector<16xi32>
        %broadcast_in_dim3A_357 = vector.broadcast %jit3A_355 : i32 to vector<16xi32>
        %select_n3A_358 = arith.select %le3A_353, %broadcast_in_dim3A_356, %broadcast_in_dim3A_357 : vector<16xi1>, vector<16xi32>
        %le3A_359 = arith.cmpf ole, %gather3A_18, %get3A_282 : vector<16xf32>
        %select_n3A_360 = arith.select %le3A_359, %gather3A_21, %gather3A_15 : vector<16xi1>, vector<16xf32>
        %le3A_361 = arith.cmpf ole, %select_n3A_360, %get3A_282 : vector<16xf32>
        %add3A_362 = arith.constant 32 : i32
        %add3A_363 = vector.broadcast %add3A_362 : i32 to vector<16xi32>
        %add3A_364 = arith.addi %select_n3A_358, %add3A_363 : vector<16xi32>
        %select_n3A_365 = arith.select %le3A_361, %add3A_364, %select_n3A_358 : vector<16xi1>, vector<16xi32>
        %add3A_366 = arith.constant 15 : i32
        %add3A_367 = vector.broadcast %add3A_366 : i32 to vector<16xi32>
        %add3A_368 = arith.addi %select_n3A_365, %add3A_367 : vector<16xi32>
        %gather3A_369 = tpu.vector_load_idx %arg14[%add3A_368] : memref<128xf32, #tpu.memory_space<vmem>>[vector<16xi32>], vector<16xf32>,
        %le3A_370 = arith.cmpf ole, %gather3A_369, %get3A_282 : vector<16xf32>
        %add3A_371 = arith.constant 16 : i32
        %add3A_372 = vector.broadcast %add3A_371 : i32 to vector<16xi32>
        %add3A_373 = arith.addi %select_n3A_365, %add3A_372 : vector<16xi32>
        %select_n3A_374 = arith.select %le3A_370, %add3A_373, %select_n3A_365 : vector<16xi1>, vector<16xi32>
        %add3A_375 = arith.constant 7 : i32
        %add3A_376 = vector.broadcast %add3A_375 : i32 to vector<16xi32>
        %add3A_377 = arith.addi %select_n3A_374, %add3A_376 : vector<16xi32>
        %gather3A_378 = tpu.vector_load_idx %arg14[%add3A_377] : memref<128xf32, #tpu.memory_space<vmem>>[vector<16xi32>], vector<16xf32>,
        %le3A_379 = arith.cmpf ole, %gather3A_378, %get3A_282 : vector<16xf32>
        %add3A_380 = arith.constant 8 : i32
        %add3A_381 = vector.broadcast %add3A_380 : i32 to vector<16xi32>
        %add3A_382 = arith.addi %select_n3A_374, %add3A_381 : vector<16xi32>
        %select_n3A_383 = arith.select %le3A_379, %add3A_382, %select_n3A_374 : vector<16xi1>, vector<16xi32>
        %add3A_384 = arith.constant 3 : i32
        %add3A_385 = vector.broadcast %add3A_384 : i32 to vector<16xi32>
        %add3A_386 = arith.addi %select_n3A_383, %add3A_385 : vector<16xi32>
        %gather3A_387 = tpu.vector_load_idx %arg14[%add3A_386] : memref<128xf32, #tpu.memory_space<vmem>>[vector<16xi32>], vector<16xf32>,
        %le3A_388 = arith.cmpf ole, %gather3A_387, %get3A_282 : vector<16xf32>
        %add3A_389 = arith.constant 4 : i32
        %add3A_390 = vector.broadcast %add3A_389 : i32 to vector<16xi32>
        %add3A_391 = arith.addi %select_n3A_383, %add3A_390 : vector<16xi32>
        %select_n3A_392 = arith.select %le3A_388, %add3A_391, %select_n3A_383 : vector<16xi1>, vector<16xi32>
        %add3A_393 = arith.constant 1 : i32
        %add3A_394 = vector.broadcast %add3A_393 : i32 to vector<16xi32>
        %add3A_395 = arith.addi %select_n3A_392, %add3A_394 : vector<16xi32>
        %gather3A_396 = tpu.vector_load_idx %arg14[%add3A_395] : memref<128xf32, #tpu.memory_space<vmem>>[vector<16xi32>], vector<16xf32>,
        %le3A_397 = arith.cmpf ole, %gather3A_396, %get3A_282 : vector<16xf32>
        %add3A_398 = arith.constant 2 : i32
        %add3A_399 = vector.broadcast %add3A_398 : i32 to vector<16xi32>
        %add3A_400 = arith.addi %select_n3A_392, %add3A_399 : vector<16xi32>
        %select_n3A_401 = arith.select %le3A_397, %add3A_400, %select_n3A_392 : vector<16xi1>, vector<16xi32>
        %add3A_402 = arith.constant 0 : i32
        %add3A_403 = vector.broadcast %add3A_402 : i32 to vector<16xi32>
        %add3A_404 = arith.addi %select_n3A_401, %add3A_403 : vector<16xi32>
        %gather3A_405 = tpu.vector_load_idx %arg14[%add3A_404] : memref<128xf32, #tpu.memory_space<vmem>>[vector<16xi32>], vector<16xf32>,
        %le3A_406 = arith.cmpf ole, %gather3A_405, %get3A_282 : vector<16xf32>
        %add3A_407 = arith.constant 1 : i32
        %add3A_408 = vector.broadcast %add3A_407 : i32 to vector<16xi32>
        %add3A_409 = arith.addi %select_n3A_401, %add3A_408 : vector<16xi32>
        %select_n3A_410 = arith.select %le3A_406, %add3A_409, %select_n3A_401 : vector<16xi1>, vector<16xi32>
        %le3A_411 = arith.cmpf ole, %gather3A_24, %get3A_282 : vector<16xf32>
        %sub3A_412 = arith.constant 1 : i32
        %sub3A_413 = vector.broadcast %sub3A_412 : i32 to vector<16xi32>
        %sub3A_414 = arith.subi %select_n3A_410, %sub3A_413 : vector<16xi32>
        %max3A_415 = arith.constant 0 : i32
        %max3A_416 = vector.broadcast %max3A_415 : i32 to vector<16xi32>
        %max3A_417 = arith.maxsi %sub3A_414, %max3A_416 : vector<16xi32>
        %jit3A_418 = arith.constant 127 : i32
        %broadcast_in_dim3A_419 = vector.broadcast %jit3A_418 : i32 to vector<16xi32>
        %select_n3A_420 = arith.select %le3A_411, %broadcast_in_dim3A_419, %max3A_417 : vector<16xi1>, vector<16xi32>
        %le3A_421 = arith.cmpf ole, %gather3A_30, %get3A_284 : vector<16xf32>
        %jit3A_422 = arith.constant 64 : i32
        %jit3A_423 = arith.constant 0 : i32
        %broadcast_in_dim3A_424 = vector.broadcast %jit3A_422 : i32 to vector<16xi32>
        %broadcast_in_dim3A_425 = vector.broadcast %jit3A_423 : i32 to vector<16xi32>
        %select_n3A_426 = arith.select %le3A_421, %broadcast_in_dim3A_424, %broadcast_in_dim3A_425 : vector<16xi1>, vector<16xi32>
        %le3A_427 = arith.cmpf ole, %gather3A_30, %get3A_284 : vector<16xf32>
        %select_n3A_428 = arith.select %le3A_427, %gather3A_33, %gather3A_27 : vector<16xi1>, vector<16xf32>
        %le3A_429 = arith.cmpf ole, %select_n3A_428, %get3A_284 : vector<16xf32>
        %add3A_430 = arith.constant 32 : i32
        %add3A_431 = vector.broadcast %add3A_430 : i32 to vector<16xi32>
        %add3A_432 = arith.addi %select_n3A_426, %add3A_431 : vector<16xi32>
        %select_n3A_433 = arith.select %le3A_429, %add3A_432, %select_n3A_426 : vector<16xi1>, vector<16xi32>
        %add3A_434 = arith.constant 15 : i32
        %add3A_435 = vector.broadcast %add3A_434 : i32 to vector<16xi32>
        %add3A_436 = arith.addi %select_n3A_433, %add3A_435 : vector<16xi32>
        %gather3A_437 = tpu.vector_load_idx %arg15[%add3A_436] : memref<128xf32, #tpu.memory_space<vmem>>[vector<16xi32>], vector<16xf32>,
        %le3A_438 = arith.cmpf ole, %gather3A_437, %get3A_284 : vector<16xf32>
        %add3A_439 = arith.constant 16 : i32
        %add3A_440 = vector.broadcast %add3A_439 : i32 to vector<16xi32>
        %add3A_441 = arith.addi %select_n3A_433, %add3A_440 : vector<16xi32>
        %select_n3A_442 = arith.select %le3A_438, %add3A_441, %select_n3A_433 : vector<16xi1>, vector<16xi32>
        %add3A_443 = arith.constant 7 : i32
        %add3A_444 = vector.broadcast %add3A_443 : i32 to vector<16xi32>
        %add3A_445 = arith.addi %select_n3A_442, %add3A_444 : vector<16xi32>
        %gather3A_446 = tpu.vector_load_idx %arg15[%add3A_445] : memref<128xf32, #tpu.memory_space<vmem>>[vector<16xi32>], vector<16xf32>,
        %le3A_447 = arith.cmpf ole, %gather3A_446, %get3A_284 : vector<16xf32>
        %add3A_448 = arith.constant 8 : i32
        %add3A_449 = vector.broadcast %add3A_448 : i32 to vector<16xi32>
        %add3A_450 = arith.addi %select_n3A_442, %add3A_449 : vector<16xi32>
        %select_n3A_451 = arith.select %le3A_447, %add3A_450, %select_n3A_442 : vector<16xi1>, vector<16xi32>
        %add3A_452 = arith.constant 3 : i32
        %add3A_453 = vector.broadcast %add3A_452 : i32 to vector<16xi32>
        %add3A_454 = arith.addi %select_n3A_451, %add3A_453 : vector<16xi32>
        %gather3A_455 = tpu.vector_load_idx %arg15[%add3A_454] : memref<128xf32, #tpu.memory_space<vmem>>[vector<16xi32>], vector<16xf32>,
        %le3A_456 = arith.cmpf ole, %gather3A_455, %get3A_284 : vector<16xf32>
        %add3A_457 = arith.constant 4 : i32
        %add3A_458 = vector.broadcast %add3A_457 : i32 to vector<16xi32>
        %add3A_459 = arith.addi %select_n3A_451, %add3A_458 : vector<16xi32>
        %select_n3A_460 = arith.select %le3A_456, %add3A_459, %select_n3A_451 : vector<16xi1>, vector<16xi32>
        %add3A_461 = arith.constant 1 : i32
        %add3A_462 = vector.broadcast %add3A_461 : i32 to vector<16xi32>
        %add3A_463 = arith.addi %select_n3A_460, %add3A_462 : vector<16xi32>
        %gather3A_464 = tpu.vector_load_idx %arg15[%add3A_463] : memref<128xf32, #tpu.memory_space<vmem>>[vector<16xi32>], vector<16xf32>,
        %le3A_465 = arith.cmpf ole, %gather3A_464, %get3A_284 : vector<16xf32>
        %add3A_466 = arith.constant 2 : i32
        %add3A_467 = vector.broadcast %add3A_466 : i32 to vector<16xi32>
        %add3A_468 = arith.addi %select_n3A_460, %add3A_467 : vector<16xi32>
        %select_n3A_469 = arith.select %le3A_465, %add3A_468, %select_n3A_460 : vector<16xi1>, vector<16xi32>
        %add3A_470 = arith.constant 0 : i32
        %add3A_471 = vector.broadcast %add3A_470 : i32 to vector<16xi32>
        %add3A_472 = arith.addi %select_n3A_469, %add3A_471 : vector<16xi32>
        %gather3A_473 = tpu.vector_load_idx %arg15[%add3A_472] : memref<128xf32, #tpu.memory_space<vmem>>[vector<16xi32>], vector<16xf32>,
        %le3A_474 = arith.cmpf ole, %gather3A_473, %get3A_284 : vector<16xf32>
        %add3A_475 = arith.constant 1 : i32
        %add3A_476 = vector.broadcast %add3A_475 : i32 to vector<16xi32>
        %add3A_477 = arith.addi %select_n3A_469, %add3A_476 : vector<16xi32>
        %select_n3A_478 = arith.select %le3A_474, %add3A_477, %select_n3A_469 : vector<16xi1>, vector<16xi32>
        %le3A_479 = arith.cmpf ole, %gather3A_36, %get3A_284 : vector<16xf32>
        %sub3A_480 = arith.constant 1 : i32
        %sub3A_481 = vector.broadcast %sub3A_480 : i32 to vector<16xi32>
        %sub3A_482 = arith.subi %select_n3A_478, %sub3A_481 : vector<16xi32>
        %max3A_483 = arith.constant 0 : i32
        %max3A_484 = vector.broadcast %max3A_483 : i32 to vector<16xi32>
        %max3A_485 = arith.maxsi %sub3A_482, %max3A_484 : vector<16xi32>
        %jit3A_486 = arith.constant 127 : i32
        %broadcast_in_dim3A_487 = vector.broadcast %jit3A_486 : i32 to vector<16xi32>
        %select_n3A_488 = arith.select %le3A_479, %broadcast_in_dim3A_487, %max3A_485 : vector<16xi1>, vector<16xi32>
        %mul3A_489 = arith.constant 128 : i32
        %mul3A_490 = vector.broadcast %mul3A_489 : i32 to vector<16xi32>
        %mul3A_491 = arith.muli %select_n3A_352, %mul3A_490 : vector<16xi32>
        %add3A_492 = arith.addi %mul3A_491, %select_n3A_420 : vector<16xi32>
        %mul3A_493 = arith.constant 128 : i32
        %mul3A_494 = vector.broadcast %mul3A_493 : i32 to vector<16xi32>
        %mul3A_495 = arith.muli %add3A_492, %mul3A_494 : vector<16xi32>
        %add3A_496 = arith.addi %mul3A_495, %select_n3A_488 : vector<16xi32>
        %swap3A_497 = arith.index_cast %add3A_278 : i32 to index
        %swap3A_498 = tpu.vector_load %arg16[%swap3A_497] {strides = array<i32>} : memref<8192xi32, #tpu.memory_space<vmem>>, vector<16xi32>,
        tpu.vector_store %arg16[%swap3A_497], %add3A_496 {strides = array<i32>} : memref<8192xi32, #tpu.memory_space<vmem>>, vector<16xi32>,
        %add3A_499 = arith.constant 32 : i32
        %add3A_500 = arith.addi %mul3A_61, %add3A_499 : i32
        %get3A_501 = arith.index_cast %add3A_500 : i32 to index
        %get3A_502 = tpu.vector_load %arg10[%get3A_501] {strides = array<i32>} : memref<8192xf32, #tpu.memory_space<vmem>>, vector<16xf32>,
        %get3A_503 = arith.index_cast %add3A_500 : i32 to index
        %get3A_504 = tpu.vector_load %arg11[%get3A_503] {strides = array<i32>} : memref<8192xf32, #tpu.memory_space<vmem>>, vector<16xf32>,
        %get3A_505 = arith.index_cast %add3A_500 : i32 to index
        %get3A_506 = tpu.vector_load %arg12[%get3A_505] {strides = array<i32>} : memref<8192xf32, #tpu.memory_space<vmem>>, vector<16xf32>,
        %le3A_507 = arith.cmpf ole, %gather3A_6, %get3A_502 : vector<16xf32>
        %jit3A_508 = arith.constant 64 : i32
        %jit3A_509 = arith.constant 0 : i32
        %broadcast_in_dim3A_510 = vector.broadcast %jit3A_508 : i32 to vector<16xi32>
        %broadcast_in_dim3A_511 = vector.broadcast %jit3A_509 : i32 to vector<16xi32>
        %select_n3A_512 = arith.select %le3A_507, %broadcast_in_dim3A_510, %broadcast_in_dim3A_511 : vector<16xi1>, vector<16xi32>
        %le3A_513 = arith.cmpf ole, %gather3A_6, %get3A_502 : vector<16xf32>
        %select_n3A_514 = arith.select %le3A_513, %gather3A_9, %gather3A : vector<16xi1>, vector<16xf32>
        %le3A_515 = arith.cmpf ole, %select_n3A_514, %get3A_502 : vector<16xf32>
        %add3A_516 = arith.constant 32 : i32
        %add3A_517 = vector.broadcast %add3A_516 : i32 to vector<16xi32>
        %add3A_518 = arith.addi %select_n3A_512, %add3A_517 : vector<16xi32>
        %select_n3A_519 = arith.select %le3A_515, %add3A_518, %select_n3A_512 : vector<16xi1>, vector<16xi32>
        %add3A_520 = arith.constant 15 : i32
        %add3A_521 = vector.broadcast %add3A_520 : i32 to vector<16xi32>
        %add3A_522 = arith.addi %select_n3A_519, %add3A_521 : vector<16xi32>
        %gather3A_523 = tpu.vector_load_idx %arg13[%add3A_522] : memref<128xf32, #tpu.memory_space<vmem>>[vector<16xi32>], vector<16xf32>,
        %le3A_524 = arith.cmpf ole, %gather3A_523, %get3A_502 : vector<16xf32>
        %add3A_525 = arith.constant 16 : i32
        %add3A_526 = vector.broadcast %add3A_525 : i32 to vector<16xi32>
        %add3A_527 = arith.addi %select_n3A_519, %add3A_526 : vector<16xi32>
        %select_n3A_528 = arith.select %le3A_524, %add3A_527, %select_n3A_519 : vector<16xi1>, vector<16xi32>
        %add3A_529 = arith.constant 7 : i32
        %add3A_530 = vector.broadcast %add3A_529 : i32 to vector<16xi32>
        %add3A_531 = arith.addi %select_n3A_528, %add3A_530 : vector<16xi32>
        %gather3A_532 = tpu.vector_load_idx %arg13[%add3A_531] : memref<128xf32, #tpu.memory_space<vmem>>[vector<16xi32>], vector<16xf32>,
        %le3A_533 = arith.cmpf ole, %gather3A_532, %get3A_502 : vector<16xf32>
        %add3A_534 = arith.constant 8 : i32
        %add3A_535 = vector.broadcast %add3A_534 : i32 to vector<16xi32>
        %add3A_536 = arith.addi %select_n3A_528, %add3A_535 : vector<16xi32>
        %select_n3A_537 = arith.select %le3A_533, %add3A_536, %select_n3A_528 : vector<16xi1>, vector<16xi32>
        %add3A_538 = arith.constant 3 : i32
        %add3A_539 = vector.broadcast %add3A_538 : i32 to vector<16xi32>
        %add3A_540 = arith.addi %select_n3A_537, %add3A_539 : vector<16xi32>
        %gather3A_541 = tpu.vector_load_idx %arg13[%add3A_540] : memref<128xf32, #tpu.memory_space<vmem>>[vector<16xi32>], vector<16xf32>,
        %le3A_542 = arith.cmpf ole, %gather3A_541, %get3A_502 : vector<16xf32>
        %add3A_543 = arith.constant 4 : i32
        %add3A_544 = vector.broadcast %add3A_543 : i32 to vector<16xi32>
        %add3A_545 = arith.addi %select_n3A_537, %add3A_544 : vector<16xi32>
        %select_n3A_546 = arith.select %le3A_542, %add3A_545, %select_n3A_537 : vector<16xi1>, vector<16xi32>
        %add3A_547 = arith.constant 1 : i32
        %add3A_548 = vector.broadcast %add3A_547 : i32 to vector<16xi32>
        %add3A_549 = arith.addi %select_n3A_546, %add3A_548 : vector<16xi32>
        %gather3A_550 = tpu.vector_load_idx %arg13[%add3A_549] : memref<128xf32, #tpu.memory_space<vmem>>[vector<16xi32>], vector<16xf32>,
        %le3A_551 = arith.cmpf ole, %gather3A_550, %get3A_502 : vector<16xf32>
        %add3A_552 = arith.constant 2 : i32
        %add3A_553 = vector.broadcast %add3A_552 : i32 to vector<16xi32>
        %add3A_554 = arith.addi %select_n3A_546, %add3A_553 : vector<16xi32>
        %select_n3A_555 = arith.select %le3A_551, %add3A_554, %select_n3A_546 : vector<16xi1>, vector<16xi32>
        %add3A_556 = arith.constant 0 : i32
        %add3A_557 = vector.broadcast %add3A_556 : i32 to vector<16xi32>
        %add3A_558 = arith.addi %select_n3A_555, %add3A_557 : vector<16xi32>
        %gather3A_559 = tpu.vector_load_idx %arg13[%add3A_558] : memref<128xf32, #tpu.memory_space<vmem>>[vector<16xi32>], vector<16xf32>,
        %le3A_560 = arith.cmpf ole, %gather3A_559, %get3A_502 : vector<16xf32>
        %add3A_561 = arith.constant 1 : i32
        %add3A_562 = vector.broadcast %add3A_561 : i32 to vector<16xi32>
        %add3A_563 = arith.addi %select_n3A_555, %add3A_562 : vector<16xi32>
        %select_n3A_564 = arith.select %le3A_560, %add3A_563, %select_n3A_555 : vector<16xi1>, vector<16xi32>
        %le3A_565 = arith.cmpf ole, %gather3A_12, %get3A_502 : vector<16xf32>
        %sub3A_566 = arith.constant 1 : i32
        %sub3A_567 = vector.broadcast %sub3A_566 : i32 to vector<16xi32>
        %sub3A_568 = arith.subi %select_n3A_564, %sub3A_567 : vector<16xi32>
        %max3A_569 = arith.constant 0 : i32
        %max3A_570 = vector.broadcast %max3A_569 : i32 to vector<16xi32>
        %max3A_571 = arith.maxsi %sub3A_568, %max3A_570 : vector<16xi32>
        %jit3A_572 = arith.constant 127 : i32
        %broadcast_in_dim3A_573 = vector.broadcast %jit3A_572 : i32 to vector<16xi32>
        %select_n3A_574 = arith.select %le3A_565, %broadcast_in_dim3A_573, %max3A_571 : vector<16xi1>, vector<16xi32>
        %le3A_575 = arith.cmpf ole, %gather3A_18, %get3A_504 : vector<16xf32>
        %jit3A_576 = arith.constant 64 : i32
        %jit3A_577 = arith.constant 0 : i32
        %broadcast_in_dim3A_578 = vector.broadcast %jit3A_576 : i32 to vector<16xi32>
        %broadcast_in_dim3A_579 = vector.broadcast %jit3A_577 : i32 to vector<16xi32>
        %select_n3A_580 = arith.select %le3A_575, %broadcast_in_dim3A_578, %broadcast_in_dim3A_579 : vector<16xi1>, vector<16xi32>
        %le3A_581 = arith.cmpf ole, %gather3A_18, %get3A_504 : vector<16xf32>
        %select_n3A_582 = arith.select %le3A_581, %gather3A_21, %gather3A_15 : vector<16xi1>, vector<16xf32>
        %le3A_583 = arith.cmpf ole, %select_n3A_582, %get3A_504 : vector<16xf32>
        %add3A_584 = arith.constant 32 : i32
        %add3A_585 = vector.broadcast %add3A_584 : i32 to vector<16xi32>
        %add3A_586 = arith.addi %select_n3A_580, %add3A_585 : vector<16xi32>
        %select_n3A_587 = arith.select %le3A_583, %add3A_586, %select_n3A_580 : vector<16xi1>, vector<16xi32>
        %add3A_588 = arith.constant 15 : i32
        %add3A_589 = vector.broadcast %add3A_588 : i32 to vector<16xi32>
        %add3A_590 = arith.addi %select_n3A_587, %add3A_589 : vector<16xi32>
        %gather3A_591 = tpu.vector_load_idx %arg14[%add3A_590] : memref<128xf32, #tpu.memory_space<vmem>>[vector<16xi32>], vector<16xf32>,
        %le3A_592 = arith.cmpf ole, %gather3A_591, %get3A_504 : vector<16xf32>
        %add3A_593 = arith.constant 16 : i32
        %add3A_594 = vector.broadcast %add3A_593 : i32 to vector<16xi32>
        %add3A_595 = arith.addi %select_n3A_587, %add3A_594 : vector<16xi32>
        %select_n3A_596 = arith.select %le3A_592, %add3A_595, %select_n3A_587 : vector<16xi1>, vector<16xi32>
        %add3A_597 = arith.constant 7 : i32
        %add3A_598 = vector.broadcast %add3A_597 : i32 to vector<16xi32>
        %add3A_599 = arith.addi %select_n3A_596, %add3A_598 : vector<16xi32>
        %gather3A_600 = tpu.vector_load_idx %arg14[%add3A_599] : memref<128xf32, #tpu.memory_space<vmem>>[vector<16xi32>], vector<16xf32>,
        %le3A_601 = arith.cmpf ole, %gather3A_600, %get3A_504 : vector<16xf32>
        %add3A_602 = arith.constant 8 : i32
        %add3A_603 = vector.broadcast %add3A_602 : i32 to vector<16xi32>
        %add3A_604 = arith.addi %select_n3A_596, %add3A_603 : vector<16xi32>
        %select_n3A_605 = arith.select %le3A_601, %add3A_604, %select_n3A_596 : vector<16xi1>, vector<16xi32>
        %add3A_606 = arith.constant 3 : i32
        %add3A_607 = vector.broadcast %add3A_606 : i32 to vector<16xi32>
        %add3A_608 = arith.addi %select_n3A_605, %add3A_607 : vector<16xi32>
        %gather3A_609 = tpu.vector_load_idx %arg14[%add3A_608] : memref<128xf32, #tpu.memory_space<vmem>>[vector<16xi32>], vector<16xf32>,
        %le3A_610 = arith.cmpf ole, %gather3A_609, %get3A_504 : vector<16xf32>
        %add3A_611 = arith.constant 4 : i32
        %add3A_612 = vector.broadcast %add3A_611 : i32 to vector<16xi32>
        %add3A_613 = arith.addi %select_n3A_605, %add3A_612 : vector<16xi32>
        %select_n3A_614 = arith.select %le3A_610, %add3A_613, %select_n3A_605 : vector<16xi1>, vector<16xi32>
        %add3A_615 = arith.constant 1 : i32
        %add3A_616 = vector.broadcast %add3A_615 : i32 to vector<16xi32>
        %add3A_617 = arith.addi %select_n3A_614, %add3A_616 : vector<16xi32>
        %gather3A_618 = tpu.vector_load_idx %arg14[%add3A_617] : memref<128xf32, #tpu.memory_space<vmem>>[vector<16xi32>], vector<16xf32>,
        %le3A_619 = arith.cmpf ole, %gather3A_618, %get3A_504 : vector<16xf32>
        %add3A_620 = arith.constant 2 : i32
        %add3A_621 = vector.broadcast %add3A_620 : i32 to vector<16xi32>
        %add3A_622 = arith.addi %select_n3A_614, %add3A_621 : vector<16xi32>
        %select_n3A_623 = arith.select %le3A_619, %add3A_622, %select_n3A_614 : vector<16xi1>, vector<16xi32>
        %add3A_624 = arith.constant 0 : i32
        %add3A_625 = vector.broadcast %add3A_624 : i32 to vector<16xi32>
        %add3A_626 = arith.addi %select_n3A_623, %add3A_625 : vector<16xi32>
        %gather3A_627 = tpu.vector_load_idx %arg14[%add3A_626] : memref<128xf32, #tpu.memory_space<vmem>>[vector<16xi32>], vector<16xf32>,
        %le3A_628 = arith.cmpf ole, %gather3A_627, %get3A_504 : vector<16xf32>
        %add3A_629 = arith.constant 1 : i32
        %add3A_630 = vector.broadcast %add3A_629 : i32 to vector<16xi32>
        %add3A_631 = arith.addi %select_n3A_623, %add3A_630 : vector<16xi32>
        %select_n3A_632 = arith.select %le3A_628, %add3A_631, %select_n3A_623 : vector<16xi1>, vector<16xi32>
        %le3A_633 = arith.cmpf ole, %gather3A_24, %get3A_504 : vector<16xf32>
        %sub3A_634 = arith.constant 1 : i32
        %sub3A_635 = vector.broadcast %sub3A_634 : i32 to vector<16xi32>
        %sub3A_636 = arith.subi %select_n3A_632, %sub3A_635 : vector<16xi32>
        %max3A_637 = arith.constant 0 : i32
        %max3A_638 = vector.broadcast %max3A_637 : i32 to vector<16xi32>
        %max3A_639 = arith.maxsi %sub3A_636, %max3A_638 : vector<16xi32>
        %jit3A_640 = arith.constant 127 : i32
        %broadcast_in_dim3A_641 = vector.broadcast %jit3A_640 : i32 to vector<16xi32>
        %select_n3A_642 = arith.select %le3A_633, %broadcast_in_dim3A_641, %max3A_639 : vector<16xi1>, vector<16xi32>
        %le3A_643 = arith.cmpf ole, %gather3A_30, %get3A_506 : vector<16xf32>
        %jit3A_644 = arith.constant 64 : i32
        %jit3A_645 = arith.constant 0 : i32
        %broadcast_in_dim3A_646 = vector.broadcast %jit3A_644 : i32 to vector<16xi32>
        %broadcast_in_dim3A_647 = vector.broadcast %jit3A_645 : i32 to vector<16xi32>
        %select_n3A_648 = arith.select %le3A_643, %broadcast_in_dim3A_646, %broadcast_in_dim3A_647 : vector<16xi1>, vector<16xi32>
        %le3A_649 = arith.cmpf ole, %gather3A_30, %get3A_506 : vector<16xf32>
        %select_n3A_650 = arith.select %le3A_649, %gather3A_33, %gather3A_27 : vector<16xi1>, vector<16xf32>
        %le3A_651 = arith.cmpf ole, %select_n3A_650, %get3A_506 : vector<16xf32>
        %add3A_652 = arith.constant 32 : i32
        %add3A_653 = vector.broadcast %add3A_652 : i32 to vector<16xi32>
        %add3A_654 = arith.addi %select_n3A_648, %add3A_653 : vector<16xi32>
        %select_n3A_655 = arith.select %le3A_651, %add3A_654, %select_n3A_648 : vector<16xi1>, vector<16xi32>
        %add3A_656 = arith.constant 15 : i32
        %add3A_657 = vector.broadcast %add3A_656 : i32 to vector<16xi32>
        %add3A_658 = arith.addi %select_n3A_655, %add3A_657 : vector<16xi32>
        %gather3A_659 = tpu.vector_load_idx %arg15[%add3A_658] : memref<128xf32, #tpu.memory_space<vmem>>[vector<16xi32>], vector<16xf32>,
        %le3A_660 = arith.cmpf ole, %gather3A_659, %get3A_506 : vector<16xf32>
        %add3A_661 = arith.constant 16 : i32
        %add3A_662 = vector.broadcast %add3A_661 : i32 to vector<16xi32>
        %add3A_663 = arith.addi %select_n3A_655, %add3A_662 : vector<16xi32>
        %select_n3A_664 = arith.select %le3A_660, %add3A_663, %select_n3A_655 : vector<16xi1>, vector<16xi32>
        %add3A_665 = arith.constant 7 : i32
        %add3A_666 = vector.broadcast %add3A_665 : i32 to vector<16xi32>
        %add3A_667 = arith.addi %select_n3A_664, %add3A_666 : vector<16xi32>
        %gather3A_668 = tpu.vector_load_idx %arg15[%add3A_667] : memref<128xf32, #tpu.memory_space<vmem>>[vector<16xi32>], vector<16xf32>,
        %le3A_669 = arith.cmpf ole, %gather3A_668, %get3A_506 : vector<16xf32>
        %add3A_670 = arith.constant 8 : i32
        %add3A_671 = vector.broadcast %add3A_670 : i32 to vector<16xi32>
        %add3A_672 = arith.addi %select_n3A_664, %add3A_671 : vector<16xi32>
        %select_n3A_673 = arith.select %le3A_669, %add3A_672, %select_n3A_664 : vector<16xi1>, vector<16xi32>
        %add3A_674 = arith.constant 3 : i32
        %add3A_675 = vector.broadcast %add3A_674 : i32 to vector<16xi32>
        %add3A_676 = arith.addi %select_n3A_673, %add3A_675 : vector<16xi32>
        %gather3A_677 = tpu.vector_load_idx %arg15[%add3A_676] : memref<128xf32, #tpu.memory_space<vmem>>[vector<16xi32>], vector<16xf32>,
        %le3A_678 = arith.cmpf ole, %gather3A_677, %get3A_506 : vector<16xf32>
        %add3A_679 = arith.constant 4 : i32
        %add3A_680 = vector.broadcast %add3A_679 : i32 to vector<16xi32>
        %add3A_681 = arith.addi %select_n3A_673, %add3A_680 : vector<16xi32>
        %select_n3A_682 = arith.select %le3A_678, %add3A_681, %select_n3A_673 : vector<16xi1>, vector<16xi32>
        %add3A_683 = arith.constant 1 : i32
        %add3A_684 = vector.broadcast %add3A_683 : i32 to vector<16xi32>
        %add3A_685 = arith.addi %select_n3A_682, %add3A_684 : vector<16xi32>
        %gather3A_686 = tpu.vector_load_idx %arg15[%add3A_685] : memref<128xf32, #tpu.memory_space<vmem>>[vector<16xi32>], vector<16xf32>,
        %le3A_687 = arith.cmpf ole, %gather3A_686, %get3A_506 : vector<16xf32>
        %add3A_688 = arith.constant 2 : i32
        %add3A_689 = vector.broadcast %add3A_688 : i32 to vector<16xi32>
        %add3A_690 = arith.addi %select_n3A_682, %add3A_689 : vector<16xi32>
        %select_n3A_691 = arith.select %le3A_687, %add3A_690, %select_n3A_682 : vector<16xi1>, vector<16xi32>
        %add3A_692 = arith.constant 0 : i32
        %add3A_693 = vector.broadcast %add3A_692 : i32 to vector<16xi32>
        %add3A_694 = arith.addi %select_n3A_691, %add3A_693 : vector<16xi32>
        %gather3A_695 = tpu.vector_load_idx %arg15[%add3A_694] : memref<128xf32, #tpu.memory_space<vmem>>[vector<16xi32>], vector<16xf32>,
        %le3A_696 = arith.cmpf ole, %gather3A_695, %get3A_506 : vector<16xf32>
        %add3A_697 = arith.constant 1 : i32
        %add3A_698 = vector.broadcast %add3A_697 : i32 to vector<16xi32>
        %add3A_699 = arith.addi %select_n3A_691, %add3A_698 : vector<16xi32>
        %select_n3A_700 = arith.select %le3A_696, %add3A_699, %select_n3A_691 : vector<16xi1>, vector<16xi32>
        %le3A_701 = arith.cmpf ole, %gather3A_36, %get3A_506 : vector<16xf32>
        %sub3A_702 = arith.constant 1 : i32
        %sub3A_703 = vector.broadcast %sub3A_702 : i32 to vector<16xi32>
        %sub3A_704 = arith.subi %select_n3A_700, %sub3A_703 : vector<16xi32>
        %max3A_705 = arith.constant 0 : i32
        %max3A_706 = vector.broadcast %max3A_705 : i32 to vector<16xi32>
        %max3A_707 = arith.maxsi %sub3A_704, %max3A_706 : vector<16xi32>
        %jit3A_708 = arith.constant 127 : i32
        %broadcast_in_dim3A_709 = vector.broadcast %jit3A_708 : i32 to vector<16xi32>
        %select_n3A_710 = arith.select %le3A_701, %broadcast_in_dim3A_709, %max3A_707 : vector<16xi1>, vector<16xi32>
        %mul3A_711 = arith.constant 128 : i32
        %mul3A_712 = vector.broadcast %mul3A_711 : i32 to vector<16xi32>
        %mul3A_713 = arith.muli %select_n3A_574, %mul3A_712 : vector<16xi32>
        %add3A_714 = arith.addi %mul3A_713, %select_n3A_642 : vector<16xi32>
        %mul3A_715 = arith.constant 128 : i32
        %mul3A_716 = vector.broadcast %mul3A_715 : i32 to vector<16xi32>
        %mul3A_717 = arith.muli %add3A_714, %mul3A_716 : vector<16xi32>
        %add3A_718 = arith.addi %mul3A_717, %select_n3A_710 : vector<16xi32>
        %swap3A_719 = arith.index_cast %add3A_500 : i32 to index
        %swap3A_720 = tpu.vector_load %arg16[%swap3A_719] {strides = array<i32>} : memref<8192xi32, #tpu.memory_space<vmem>>, vector<16xi32>,
        tpu.vector_store %arg16[%swap3A_719], %add3A_718 {strides = array<i32>} : memref<8192xi32, #tpu.memory_space<vmem>>, vector<16xi32>,
        %add3A_721 = arith.constant 48 : i32
        %add3A_722 = arith.addi %mul3A_61, %add3A_721 : i32
        %get3A_723 = arith.index_cast %add3A_722 : i32 to index
        %get3A_724 = tpu.vector_load %arg10[%get3A_723] {strides = array<i32>} : memref<8192xf32, #tpu.memory_space<vmem>>, vector<16xf32>,
        %get3A_725 = arith.index_cast %add3A_722 : i32 to index
        %get3A_726 = tpu.vector_load %arg11[%get3A_725] {strides = array<i32>} : memref<8192xf32, #tpu.memory_space<vmem>>, vector<16xf32>,
        %get3A_727 = arith.index_cast %add3A_722 : i32 to index
        %get3A_728 = tpu.vector_load %arg12[%get3A_727] {strides = array<i32>} : memref<8192xf32, #tpu.memory_space<vmem>>, vector<16xf32>,
        %le3A_729 = arith.cmpf ole, %gather3A_6, %get3A_724 : vector<16xf32>
        %jit3A_730 = arith.constant 64 : i32
        %jit3A_731 = arith.constant 0 : i32
        %broadcast_in_dim3A_732 = vector.broadcast %jit3A_730 : i32 to vector<16xi32>
        %broadcast_in_dim3A_733 = vector.broadcast %jit3A_731 : i32 to vector<16xi32>
        %select_n3A_734 = arith.select %le3A_729, %broadcast_in_dim3A_732, %broadcast_in_dim3A_733 : vector<16xi1>, vector<16xi32>
        %le3A_735 = arith.cmpf ole, %gather3A_6, %get3A_724 : vector<16xf32>
        %select_n3A_736 = arith.select %le3A_735, %gather3A_9, %gather3A : vector<16xi1>, vector<16xf32>
        %le3A_737 = arith.cmpf ole, %select_n3A_736, %get3A_724 : vector<16xf32>
        %add3A_738 = arith.constant 32 : i32
        %add3A_739 = vector.broadcast %add3A_738 : i32 to vector<16xi32>
        %add3A_740 = arith.addi %select_n3A_734, %add3A_739 : vector<16xi32>
        %select_n3A_741 = arith.select %le3A_737, %add3A_740, %select_n3A_734 : vector<16xi1>, vector<16xi32>
        %add3A_742 = arith.constant 15 : i32
        %add3A_743 = vector.broadcast %add3A_742 : i32 to vector<16xi32>
        %add3A_744 = arith.addi %select_n3A_741, %add3A_743 : vector<16xi32>
        %gather3A_745 = tpu.vector_load_idx %arg13[%add3A_744] : memref<128xf32, #tpu.memory_space<vmem>>[vector<16xi32>], vector<16xf32>,
        %le3A_746 = arith.cmpf ole, %gather3A_745, %get3A_724 : vector<16xf32>
        %add3A_747 = arith.constant 16 : i32
        %add3A_748 = vector.broadcast %add3A_747 : i32 to vector<16xi32>
        %add3A_749 = arith.addi %select_n3A_741, %add3A_748 : vector<16xi32>
        %select_n3A_750 = arith.select %le3A_746, %add3A_749, %select_n3A_741 : vector<16xi1>, vector<16xi32>
        %add3A_751 = arith.constant 7 : i32
        %add3A_752 = vector.broadcast %add3A_751 : i32 to vector<16xi32>
        %add3A_753 = arith.addi %select_n3A_750, %add3A_752 : vector<16xi32>
        %gather3A_754 = tpu.vector_load_idx %arg13[%add3A_753] : memref<128xf32, #tpu.memory_space<vmem>>[vector<16xi32>], vector<16xf32>,
        %le3A_755 = arith.cmpf ole, %gather3A_754, %get3A_724 : vector<16xf32>
        %add3A_756 = arith.constant 8 : i32
        %add3A_757 = vector.broadcast %add3A_756 : i32 to vector<16xi32>
        %add3A_758 = arith.addi %select_n3A_750, %add3A_757 : vector<16xi32>
        %select_n3A_759 = arith.select %le3A_755, %add3A_758, %select_n3A_750 : vector<16xi1>, vector<16xi32>
        %add3A_760 = arith.constant 3 : i32
        %add3A_761 = vector.broadcast %add3A_760 : i32 to vector<16xi32>
        %add3A_762 = arith.addi %select_n3A_759, %add3A_761 : vector<16xi32>
        %gather3A_763 = tpu.vector_load_idx %arg13[%add3A_762] : memref<128xf32, #tpu.memory_space<vmem>>[vector<16xi32>], vector<16xf32>,
        %le3A_764 = arith.cmpf ole, %gather3A_763, %get3A_724 : vector<16xf32>
        %add3A_765 = arith.constant 4 : i32
        %add3A_766 = vector.broadcast %add3A_765 : i32 to vector<16xi32>
        %add3A_767 = arith.addi %select_n3A_759, %add3A_766 : vector<16xi32>
        %select_n3A_768 = arith.select %le3A_764, %add3A_767, %select_n3A_759 : vector<16xi1>, vector<16xi32>
        %add3A_769 = arith.constant 1 : i32
        %add3A_770 = vector.broadcast %add3A_769 : i32 to vector<16xi32>
        %add3A_771 = arith.addi %select_n3A_768, %add3A_770 : vector<16xi32>
        %gather3A_772 = tpu.vector_load_idx %arg13[%add3A_771] : memref<128xf32, #tpu.memory_space<vmem>>[vector<16xi32>], vector<16xf32>,
        %le3A_773 = arith.cmpf ole, %gather3A_772, %get3A_724 : vector<16xf32>
        %add3A_774 = arith.constant 2 : i32
        %add3A_775 = vector.broadcast %add3A_774 : i32 to vector<16xi32>
        %add3A_776 = arith.addi %select_n3A_768, %add3A_775 : vector<16xi32>
        %select_n3A_777 = arith.select %le3A_773, %add3A_776, %select_n3A_768 : vector<16xi1>, vector<16xi32>
        %add3A_778 = arith.constant 0 : i32
        %add3A_779 = vector.broadcast %add3A_778 : i32 to vector<16xi32>
        %add3A_780 = arith.addi %select_n3A_777, %add3A_779 : vector<16xi32>
        %gather3A_781 = tpu.vector_load_idx %arg13[%add3A_780] : memref<128xf32, #tpu.memory_space<vmem>>[vector<16xi32>], vector<16xf32>,
        %le3A_782 = arith.cmpf ole, %gather3A_781, %get3A_724 : vector<16xf32>
        %add3A_783 = arith.constant 1 : i32
        %add3A_784 = vector.broadcast %add3A_783 : i32 to vector<16xi32>
        %add3A_785 = arith.addi %select_n3A_777, %add3A_784 : vector<16xi32>
        %select_n3A_786 = arith.select %le3A_782, %add3A_785, %select_n3A_777 : vector<16xi1>, vector<16xi32>
        %le3A_787 = arith.cmpf ole, %gather3A_12, %get3A_724 : vector<16xf32>
        %sub3A_788 = arith.constant 1 : i32
        %sub3A_789 = vector.broadcast %sub3A_788 : i32 to vector<16xi32>
        %sub3A_790 = arith.subi %select_n3A_786, %sub3A_789 : vector<16xi32>
        %max3A_791 = arith.constant 0 : i32
        %max3A_792 = vector.broadcast %max3A_791 : i32 to vector<16xi32>
        %max3A_793 = arith.maxsi %sub3A_790, %max3A_792 : vector<16xi32>
        %jit3A_794 = arith.constant 127 : i32
        %broadcast_in_dim3A_795 = vector.broadcast %jit3A_794 : i32 to vector<16xi32>
        %select_n3A_796 = arith.select %le3A_787, %broadcast_in_dim3A_795, %max3A_793 : vector<16xi1>, vector<16xi32>
        %le3A_797 = arith.cmpf ole, %gather3A_18, %get3A_726 : vector<16xf32>
        %jit3A_798 = arith.constant 64 : i32
        %jit3A_799 = arith.constant 0 : i32
        %broadcast_in_dim3A_800 = vector.broadcast %jit3A_798 : i32 to vector<16xi32>
        %broadcast_in_dim3A_801 = vector.broadcast %jit3A_799 : i32 to vector<16xi32>
        %select_n3A_802 = arith.select %le3A_797, %broadcast_in_dim3A_800, %broadcast_in_dim3A_801 : vector<16xi1>, vector<16xi32>
        %le3A_803 = arith.cmpf ole, %gather3A_18, %get3A_726 : vector<16xf32>
        %select_n3A_804 = arith.select %le3A_803, %gather3A_21, %gather3A_15 : vector<16xi1>, vector<16xf32>
        %le3A_805 = arith.cmpf ole, %select_n3A_804, %get3A_726 : vector<16xf32>
        %add3A_806 = arith.constant 32 : i32
        %add3A_807 = vector.broadcast %add3A_806 : i32 to vector<16xi32>
        %add3A_808 = arith.addi %select_n3A_802, %add3A_807 : vector<16xi32>
        %select_n3A_809 = arith.select %le3A_805, %add3A_808, %select_n3A_802 : vector<16xi1>, vector<16xi32>
        %add3A_810 = arith.constant 15 : i32
        %add3A_811 = vector.broadcast %add3A_810 : i32 to vector<16xi32>
        %add3A_812 = arith.addi %select_n3A_809, %add3A_811 : vector<16xi32>
        %gather3A_813 = tpu.vector_load_idx %arg14[%add3A_812] : memref<128xf32, #tpu.memory_space<vmem>>[vector<16xi32>], vector<16xf32>,
        %le3A_814 = arith.cmpf ole, %gather3A_813, %get3A_726 : vector<16xf32>
        %add3A_815 = arith.constant 16 : i32
        %add3A_816 = vector.broadcast %add3A_815 : i32 to vector<16xi32>
        %add3A_817 = arith.addi %select_n3A_809, %add3A_816 : vector<16xi32>
        %select_n3A_818 = arith.select %le3A_814, %add3A_817, %select_n3A_809 : vector<16xi1>, vector<16xi32>
        %add3A_819 = arith.constant 7 : i32
        %add3A_820 = vector.broadcast %add3A_819 : i32 to vector<16xi32>
        %add3A_821 = arith.addi %select_n3A_818, %add3A_820 : vector<16xi32>
        %gather3A_822 = tpu.vector_load_idx %arg14[%add3A_821] : memref<128xf32, #tpu.memory_space<vmem>>[vector<16xi32>], vector<16xf32>,
        %le3A_823 = arith.cmpf ole, %gather3A_822, %get3A_726 : vector<16xf32>
        %add3A_824 = arith.constant 8 : i32
        %add3A_825 = vector.broadcast %add3A_824 : i32 to vector<16xi32>
        %add3A_826 = arith.addi %select_n3A_818, %add3A_825 : vector<16xi32>
        %select_n3A_827 = arith.select %le3A_823, %add3A_826, %select_n3A_818 : vector<16xi1>, vector<16xi32>
        %add3A_828 = arith.constant 3 : i32
        %add3A_829 = vector.broadcast %add3A_828 : i32 to vector<16xi32>
        %add3A_830 = arith.addi %select_n3A_827, %add3A_829 : vector<16xi32>
        %gather3A_831 = tpu.vector_load_idx %arg14[%add3A_830] : memref<128xf32, #tpu.memory_space<vmem>>[vector<16xi32>], vector<16xf32>,
        %le3A_832 = arith.cmpf ole, %gather3A_831, %get3A_726 : vector<16xf32>
        %add3A_833 = arith.constant 4 : i32
        %add3A_834 = vector.broadcast %add3A_833 : i32 to vector<16xi32>
        %add3A_835 = arith.addi %select_n3A_827, %add3A_834 : vector<16xi32>
        %select_n3A_836 = arith.select %le3A_832, %add3A_835, %select_n3A_827 : vector<16xi1>, vector<16xi32>
        %add3A_837 = arith.constant 1 : i32
        %add3A_838 = vector.broadcast %add3A_837 : i32 to vector<16xi32>
        %add3A_839 = arith.addi %select_n3A_836, %add3A_838 : vector<16xi32>
        %gather3A_840 = tpu.vector_load_idx %arg14[%add3A_839] : memref<128xf32, #tpu.memory_space<vmem>>[vector<16xi32>], vector<16xf32>,
        %le3A_841 = arith.cmpf ole, %gather3A_840, %get3A_726 : vector<16xf32>
        %add3A_842 = arith.constant 2 : i32
        %add3A_843 = vector.broadcast %add3A_842 : i32 to vector<16xi32>
        %add3A_844 = arith.addi %select_n3A_836, %add3A_843 : vector<16xi32>
        %select_n3A_845 = arith.select %le3A_841, %add3A_844, %select_n3A_836 : vector<16xi1>, vector<16xi32>
        %add3A_846 = arith.constant 0 : i32
        %add3A_847 = vector.broadcast %add3A_846 : i32 to vector<16xi32>
        %add3A_848 = arith.addi %select_n3A_845, %add3A_847 : vector<16xi32>
        %gather3A_849 = tpu.vector_load_idx %arg14[%add3A_848] : memref<128xf32, #tpu.memory_space<vmem>>[vector<16xi32>], vector<16xf32>,
        %le3A_850 = arith.cmpf ole, %gather3A_849, %get3A_726 : vector<16xf32>
        %add3A_851 = arith.constant 1 : i32
        %add3A_852 = vector.broadcast %add3A_851 : i32 to vector<16xi32>
        %add3A_853 = arith.addi %select_n3A_845, %add3A_852 : vector<16xi32>
        %select_n3A_854 = arith.select %le3A_850, %add3A_853, %select_n3A_845 : vector<16xi1>, vector<16xi32>
        %le3A_855 = arith.cmpf ole, %gather3A_24, %get3A_726 : vector<16xf32>
        %sub3A_856 = arith.constant 1 : i32
        %sub3A_857 = vector.broadcast %sub3A_856 : i32 to vector<16xi32>
        %sub3A_858 = arith.subi %select_n3A_854, %sub3A_857 : vector<16xi32>
        %max3A_859 = arith.constant 0 : i32
        %max3A_860 = vector.broadcast %max3A_859 : i32 to vector<16xi32>
        %max3A_861 = arith.maxsi %sub3A_858, %max3A_860 : vector<16xi32>
        %jit3A_862 = arith.constant 127 : i32
        %broadcast_in_dim3A_863 = vector.broadcast %jit3A_862 : i32 to vector<16xi32>
        %select_n3A_864 = arith.select %le3A_855, %broadcast_in_dim3A_863, %max3A_861 : vector<16xi1>, vector<16xi32>
        %le3A_865 = arith.cmpf ole, %gather3A_30, %get3A_728 : vector<16xf32>
        %jit3A_866 = arith.constant 64 : i32
        %jit3A_867 = arith.constant 0 : i32
        %broadcast_in_dim3A_868 = vector.broadcast %jit3A_866 : i32 to vector<16xi32>
        %broadcast_in_dim3A_869 = vector.broadcast %jit3A_867 : i32 to vector<16xi32>
        %select_n3A_870 = arith.select %le3A_865, %broadcast_in_dim3A_868, %broadcast_in_dim3A_869 : vector<16xi1>, vector<16xi32>
        %le3A_871 = arith.cmpf ole, %gather3A_30, %get3A_728 : vector<16xf32>
        %select_n3A_872 = arith.select %le3A_871, %gather3A_33, %gather3A_27 : vector<16xi1>, vector<16xf32>
        %le3A_873 = arith.cmpf ole, %select_n3A_872, %get3A_728 : vector<16xf32>
        %add3A_874 = arith.constant 32 : i32
        %add3A_875 = vector.broadcast %add3A_874 : i32 to vector<16xi32>
        %add3A_876 = arith.addi %select_n3A_870, %add3A_875 : vector<16xi32>
        %select_n3A_877 = arith.select %le3A_873, %add3A_876, %select_n3A_870 : vector<16xi1>, vector<16xi32>
        %add3A_878 = arith.constant 15 : i32
        %add3A_879 = vector.broadcast %add3A_878 : i32 to vector<16xi32>
        %add3A_880 = arith.addi %select_n3A_877, %add3A_879 : vector<16xi32>
        %gather3A_881 = tpu.vector_load_idx %arg15[%add3A_880] : memref<128xf32, #tpu.memory_space<vmem>>[vector<16xi32>], vector<16xf32>,
        %le3A_882 = arith.cmpf ole, %gather3A_881, %get3A_728 : vector<16xf32>
        %add3A_883 = arith.constant 16 : i32
        %add3A_884 = vector.broadcast %add3A_883 : i32 to vector<16xi32>
        %add3A_885 = arith.addi %select_n3A_877, %add3A_884 : vector<16xi32>
        %select_n3A_886 = arith.select %le3A_882, %add3A_885, %select_n3A_877 : vector<16xi1>, vector<16xi32>
        %add3A_887 = arith.constant 7 : i32
        %add3A_888 = vector.broadcast %add3A_887 : i32 to vector<16xi32>
        %add3A_889 = arith.addi %select_n3A_886, %add3A_888 : vector<16xi32>
        %gather3A_890 = tpu.vector_load_idx %arg15[%add3A_889] : memref<128xf32, #tpu.memory_space<vmem>>[vector<16xi32>], vector<16xf32>,
        %le3A_891 = arith.cmpf ole, %gather3A_890, %get3A_728 : vector<16xf32>
        %add3A_892 = arith.constant 8 : i32
        %add3A_893 = vector.broadcast %add3A_892 : i32 to vector<16xi32>
        %add3A_894 = arith.addi %select_n3A_886, %add3A_893 : vector<16xi32>
        %select_n3A_895 = arith.select %le3A_891, %add3A_894, %select_n3A_886 : vector<16xi1>, vector<16xi32>
        %add3A_896 = arith.constant 3 : i32
        %add3A_897 = vector.broadcast %add3A_896 : i32 to vector<16xi32>
        %add3A_898 = arith.addi %select_n3A_895, %add3A_897 : vector<16xi32>
        %gather3A_899 = tpu.vector_load_idx %arg15[%add3A_898] : memref<128xf32, #tpu.memory_space<vmem>>[vector<16xi32>], vector<16xf32>,
        %le3A_900 = arith.cmpf ole, %gather3A_899, %get3A_728 : vector<16xf32>
        %add3A_901 = arith.constant 4 : i32
        %add3A_902 = vector.broadcast %add3A_901 : i32 to vector<16xi32>
        %add3A_903 = arith.addi %select_n3A_895, %add3A_902 : vector<16xi32>
        %select_n3A_904 = arith.select %le3A_900, %add3A_903, %select_n3A_895 : vector<16xi1>, vector<16xi32>
        %add3A_905 = arith.constant 1 : i32
        %add3A_906 = vector.broadcast %add3A_905 : i32 to vector<16xi32>
        %add3A_907 = arith.addi %select_n3A_904, %add3A_906 : vector<16xi32>
        %gather3A_908 = tpu.vector_load_idx %arg15[%add3A_907] : memref<128xf32, #tpu.memory_space<vmem>>[vector<16xi32>], vector<16xf32>,
        %le3A_909 = arith.cmpf ole, %gather3A_908, %get3A_728 : vector<16xf32>
        %add3A_910 = arith.constant 2 : i32
        %add3A_911 = vector.broadcast %add3A_910 : i32 to vector<16xi32>
        %add3A_912 = arith.addi %select_n3A_904, %add3A_911 : vector<16xi32>
        %select_n3A_913 = arith.select %le3A_909, %add3A_912, %select_n3A_904 : vector<16xi1>, vector<16xi32>
        %add3A_914 = arith.constant 0 : i32
        %add3A_915 = vector.broadcast %add3A_914 : i32 to vector<16xi32>
        %add3A_916 = arith.addi %select_n3A_913, %add3A_915 : vector<16xi32>
        %gather3A_917 = tpu.vector_load_idx %arg15[%add3A_916] : memref<128xf32, #tpu.memory_space<vmem>>[vector<16xi32>], vector<16xf32>,
        %le3A_918 = arith.cmpf ole, %gather3A_917, %get3A_728 : vector<16xf32>
        %add3A_919 = arith.constant 1 : i32
        %add3A_920 = vector.broadcast %add3A_919 : i32 to vector<16xi32>
        %add3A_921 = arith.addi %select_n3A_913, %add3A_920 : vector<16xi32>
        %select_n3A_922 = arith.select %le3A_918, %add3A_921, %select_n3A_913 : vector<16xi1>, vector<16xi32>
        %le3A_923 = arith.cmpf ole, %gather3A_36, %get3A_728 : vector<16xf32>
        %sub3A_924 = arith.constant 1 : i32
        %sub3A_925 = vector.broadcast %sub3A_924 : i32 to vector<16xi32>
        %sub3A_926 = arith.subi %select_n3A_922, %sub3A_925 : vector<16xi32>
        %max3A_927 = arith.constant 0 : i32
        %max3A_928 = vector.broadcast %max3A_927 : i32 to vector<16xi32>
        %max3A_929 = arith.maxsi %sub3A_926, %max3A_928 : vector<16xi32>
        %jit3A_930 = arith.constant 127 : i32
        %broadcast_in_dim3A_931 = vector.broadcast %jit3A_930 : i32 to vector<16xi32>
        %select_n3A_932 = arith.select %le3A_923, %broadcast_in_dim3A_931, %max3A_929 : vector<16xi1>, vector<16xi32>
        %mul3A_933 = arith.constant 128 : i32
        %mul3A_934 = vector.broadcast %mul3A_933 : i32 to vector<16xi32>
        %mul3A_935 = arith.muli %select_n3A_796, %mul3A_934 : vector<16xi32>
        %add3A_936 = arith.addi %mul3A_935, %select_n3A_864 : vector<16xi32>
        %mul3A_937 = arith.constant 128 : i32
        %mul3A_938 = vector.broadcast %mul3A_937 : i32 to vector<16xi32>
        %mul3A_939 = arith.muli %add3A_936, %mul3A_938 : vector<16xi32>
        %add3A_940 = arith.addi %mul3A_939, %select_n3A_932 : vector<16xi32>
        %swap3A_941 = arith.index_cast %add3A_722 : i32 to index
        %swap3A_942 = tpu.vector_load %arg16[%swap3A_941] {strides = array<i32>} : memref<8192xi32, #tpu.memory_space<vmem>>, vector<16xi32>,
        tpu.vector_store %arg16[%swap3A_941], %add3A_940 {strides = array<i32>} : memref<8192xi32, #tpu.memory_space<vmem>>, vector<16xi32>,
        %scan3A_943 = arith.constant 0 : i32
        scf.yield %scan3A_943 : i32
      }
      %scan3A_54 = arith.constant 128 : i32
      %dma_start3A = arith.constant 0 : i32
      %dma_start3A_55 = tpu.memref_slice %arg8[%dma_start3A] : memref<2097152xf32, #tpu.memory_space<hbm>> -> memref<2097152xf32, #tpu.memory_space<hbm>>
      tpu.enqueue_indirect_dma source(%dma_start3A_55 : memref<2097152xf32, #tpu.memory_space<hbm>>) target(%arg17 : memref<8192xf32, #tpu.memory_space<vmem>>) offsets(%arg16 : memref<8192xi32, #tpu.memory_space<vmem>>) semaphore(%arg18 : memref<!tpu.dma_semaphore, #tpu.memory_space<semaphore_mem>>)
      %dma_wait3A = arith.constant 0 : i32
      %dma_wait3A_56 = tpu.memref_slice %arg8[%dma_wait3A] : memref<2097152xf32, #tpu.memory_space<hbm>> -> memref<2097152xf32, #tpu.memory_space<hbm>>
      tpu.wait_indirect_dma semaphore(%arg18 : memref<!tpu.dma_semaphore, #tpu.memory_space<semaphore_mem>>) src(%dma_wait3A_56 : memref<2097152xf32, #tpu.memory_space<hbm>>) dst(%arg17 : memref<8192xf32, #tpu.memory_space<vmem>>)
      "tpu.region"() ({
        %run_scoped3A = tpu.sem_alloc : memref<!tpu.dma_semaphore, #tpu.memory_space<semaphore_mem>>
        %dma_start3A_58 = tpu.memref_slice %arg9[%add3A_47] : memref<1048576xf32, #tpu.memory_space<hbm>> -> memref<8192xf32, #tpu.memory_space<hbm>>
        %dma_start3A_59 = tpu.memref_slice %arg9[%add3A_47] : memref<1048576xf32, #tpu.memory_space<hbm>> -> memref<8192xf32, #tpu.memory_space<hbm>>
        tpu.enqueue_dma source(%arg17 : memref<8192xf32, #tpu.memory_space<vmem>>) target(%dma_start3A_59 : memref<8192xf32, #tpu.memory_space<hbm>>) target_semaphore(%run_scoped3A : memref<!tpu.dma_semaphore, #tpu.memory_space<semaphore_mem>>)
        %dma_wait3A_60 = tpu.memref_slice %arg9[%add3A_47] : memref<1048576xf32, #tpu.memory_space<hbm>> -> memref<8192xf32, #tpu.memory_space<hbm>>
        %dma_wait3A_61 = tpu.memref_slice %arg9[%add3A_47] : memref<1048576xf32, #tpu.memory_space<hbm>> -> memref<8192xf32, #tpu.memory_space<hbm>>
        tpu.wait_dma2 semaphore(%run_scoped3A : memref<!tpu.dma_semaphore, #tpu.memory_space<semaphore_mem>>) src(%arg17 : memref<8192xf32, #tpu.memory_space<vmem>>) dst(%dma_wait3A_61 : memref<8192xf32, #tpu.memory_space<hbm>>)
        tpu.yield
      }) : () -> ()
      %scan3A_57 = arith.constant 0 : i32
      scf.yield %scan3A_57 : i32
    }
    %scan3A_42 = arith.constant 4 : i32
    return
  }
}

</mosaic_0001>

<sc_bundles>
// kernel: _run.3.cloned.1.call-start
scs
__scs_entry_jumppad:
0x0: {  	(pc) =	sbr.rel $0x88, $3  }
0x1: {  	(tag) =	ssettag $0x0;
	lr =	simm.s32 $0x1  }
0x2: {  	[smem:$0x3F9A] =	sst lr;
	_ =	strace $0xD0000000  }
0x3: {  	_ = 	snop  }
0x4: {  	_ = 	snop  }
0x5: {  	_ = 	snop  }
0x6: {  	_ = 	snop  }
0x7: {  	_ = 	snop  }
__scs_overlays_trampoline_lowered:
0x8: {  	[smem:$0x3FA9] =	sst s0  }
0x9: {  	[smem:$0x3FAA] =	sst s1  }
0xa: {  	[smem:$0x3FAB] =	sst s2  }
0xb: {  	[smem:$0x3FAC] =	sst s3  }
0xc: {  	[smem:$0x3FAD] =	sst s4  }
0xd: {  	[smem:$0x3FAE] =	sst s5  }
0xe: {  	[smem:$0x3FAF] =	sst s6  }
0xf: {  	[smem:$0x3FB0] =	sst s7  }
0x10: {  	[smem:$0x3FB1] =	sst s8  }
0x11: {  	[smem:$0x3FB2] =	sst s9;
	s0 =	simm.s32 @!p0 $0x0  }
0x12: {  	s1 =	sld [smem:$0x3F98];
	s0 =	simm.s32 @p0 $0x1  }
0x13: {  	[smem:$0x3FB3] =	sst s0;
	s0 =	simm.s32 @!p1 $0x0  }
0x14: {  	s2 =	sld [smem:$0x3F97];
	s0 =	simm.s32 @p1 $0x1  }
0x15: {  	[smem:$0x3FB4] =	sst s0;
	s0 =	simm.s32 @!p2 $0x0  }
0x16: {  	s3 =	sld [smem:$0x3FDB];
	s0 =	simm.s32 @p2 $0x1  }
0x17: {  	s4 =	simm.s32 $0x1BF5;
	[smem:$0x3FB6] =	sst s0  }
0x18: {  	s0 =	sld [smem:$0x3F99];
	_ =	swait.ge [sflag:s4], $0x0  }
0x19: {  	s7 =	sld [smem:$0x3F9A]  }
0x1a: {  	s8 =	sadd.s32 $0xFFFFE003, lr  }
0x1b: {  	s9 =	sadd.s32 $0xFFFFFEF7, lr;
	s5 =	simm.s32 $0xFFFFFFFF;
	p2 =	slt.u32 s8, $0xFFFFF086  }
0x1c: {  	p1 =	slt.u32 s9, $0xF7A;
	s5 =	simm.s32 @!p2 $0x0  }
0x1d: {  	s5 =	simm.s32 @p1 $0x1;
	p0 =	seq.s32 s7, s2  }
0x1e: {  	s7 =	smul.u32 @!p0 $0xF7A, s2;
	p2 =	seq.s32 @!p0 s5, $0x0  }
0x1f: {  	s9 =	smul.u32 $0xF7A, s1;
	s8 =	simm.s32 @!p0 $0x1BF5;
	p2 =	por !p2, p0  }
0x20: {  	[sflag:s8] =	ssyncset.s32 @!p0 $0xFFFFF086;
	s6 =	sadd.s32 @!p0 s3, s7;
	s7 =	simm.s32 @!p0 $0x108  }
0x21: {  	s3 =	sadd.s32 s3, s9;
	s6 =	sadd.s32 @!p0 $0x88, s6;
	s7 =	simm.s32 @p2 $0x1082  }
0x22: {  	[simem:s7], [sflag:s8] =	dma.local @!p0 [hbm:s6], $0xF7A  }
0x23: {  	s9 =	sor.u32 $0xD0000000, s2;
	s6 =	simm.s32 $0x108;
	_ =	swait.ge @!p0 [sflag:s8], $0x0  }
0x24: {  	s3 =	sadd.s32 $0x88, s3;
	s6 =	simm.s32 @!p1 $0x1082;
	[sflag:s4] =	ssyncset.s32 $0xFFFFF086  }
0x25: {  	[simem:s6], [sflag:s4] =	dma.local [hbm:s3], $0xF7A  }
0x26: {  	[smem:$0x3F9A] =	sst s1;
	(tag) =	ssettag s2;
	_ =	strace s9  }
0x27: {  	s1 =	sld [smem:$0x3FAA]  }
0x28: {  	s2 =	sld [smem:$0x3FAB]  }
0x29: {  	s4 =	sld [smem:$0x3FAD]  }
0x2a: {  	p0 =	seq.s32 s5, $0x0;
	s5 =	sld [smem:$0x3FAE]  }
0x2b: {  	s6 =	sld [smem:$0x3FAF]  }
0x2c: {  	s7 =	sld [smem:$0x3FB0]  }
0x2d: {  	s3 =	simm.s32 $0x108;
	s8 =	sld [smem:$0x3FB1]  }
0x2e: {  	s3 =	simm.s32 @!p0 $0x1082;
	s9 =	sld [smem:$0x3FB2]  }
0x2f: {  	lr =	sadd.s32 s0, s3;
	s0 =	sld [smem:$0x3FA9]  }
0x30: {  	s3 =	sld [smem:$0x3FAC]  }
0x31: {  	[smem:$0x3FB5] =	sst s10  }
0x32: {  	s10 =	sld [smem:$0x3FB3];
	_ =	sdelay $0x3  }
0x33: {  	p0 =	seq.s32 s10, $0x1;
	s10 =	sld [smem:$0x3FB5];
	_ =	sdelay $0x3  }
0x34: {  	[smem:$0x3FB5] =	sst s10  }
0x35: {  	s10 =	sld [smem:$0x3FB4];
	_ =	sdelay $0x3  }
0x36: {  	p1 =	seq.s32 s10, $0x1;
	s10 =	sld [smem:$0x3FB5];
	_ =	sdelay $0x3  }
0x37: {  	[smem:$0x3FB5] =	sst s10  }
0x38: {  	s10 =	sld [smem:$0x3FB6]  }
0x39: {  	_ = 	snop;
	(pc) =	sbr.ind lr, $3  }
0x3a: {  	_ = 	snop  }
0x3b: {  	_ = 	snop  }
0x3c: {  	p2 =	seq.s32 s10, $0x1;
	s10 =	sld [smem:$0x3FB5]  }
0x3d: {  	_ =	shalt  }
0x3e: {  	_ =	shalt  }
0x3f: {  	_ =	shalt  }
0x40: {  	_ =	shalt  }
0x41: {  	_ =	shalt  }
0x42: {  	_ =	shalt  }
0x43: {  	_ =	shalt  }
0x44: {  	_ =	shalt  }
0x45: {  	_ =	shalt  }
0x46: {  	_ =	shalt  }
0x47: {  	_ =	shalt  }
0x48: {  	_ =	shalt  }
0x49: {  	_ =	shalt  }
0x4a: {  	_ =	shalt  }
0x4b: {  	_ =	shalt  }
0x4c: {  	_ =	shalt  }
0x4d: {  	_ =	shalt  }
0x4e: {  	_ =	shalt  }
0x4f: {  	_ =	shalt  }
0x50: {  	_ =	shalt  }
0x51: {  	_ =	shalt  }
0x52: {  	_ =	shalt  }
0x53: {  	_ =	shalt  }
0x54: {  	_ =	shalt  }
0x55: {  	_ =	shalt  }
0x56: {  	_ =	shalt  }
0x57: {  	_ =	shalt  }
0x58: {  	_ =	shalt  }
0x59: {  	_ =	shalt  }
0x5a: {  	_ =	shalt  }
0x5b: {  	_ =	shalt  }
0x5c: {  	_ =	shalt  }
0x5d: {  	_ =	shalt  }
0x5e: {  	_ =	shalt  }
0x5f: {  	_ =	shalt  }
0x60: {  	_ =	shalt  }
0x61: {  	_ =	shalt  }
0x62: {  	_ =	shalt  }
0x63: {  	_ =	shalt  }
0x64: {  	_ =	shalt  }
0x65: {  	_ =	shalt  }
0x66: {  	_ =	shalt  }
0x67: {  	_ =	shalt  }
0x68: {  	_ =	shalt  }
0x69: {  	_ =	shalt  }
0x6a: {  	_ =	shalt  }
0x6b: {  	_ =	shalt  }
0x6c: {  	_ =	shalt  }
0x6d: {  	_ =	shalt  }
0x6e: {  	_ =	shalt  }
0x6f: {  	_ =	shalt  }
0x70: {  	_ =	shalt  }
0x71: {  	_ =	shalt  }
0x72: {  	_ =	shalt  }
0x73: {  	_ =	shalt  }
0x74: {  	_ =	shalt  }
0x75: {  	_ =	shalt  }
0x76: {  	_ =	shalt  }
0x77: {  	_ =	shalt  }
0x78: {  	_ =	shalt  }
0x79: {  	_ =	shalt  }
0x7a: {  	_ =	shalt  }
0x7b: {  	_ =	shalt  }
0x7c: {  	_ =	shalt  }
0x7d: {  	_ =	shalt  }
0x7e: {  	_ =	shalt  }
0x7f: {  	_ =	shalt  }
0x80: {  	_ =	shalt  }
0x81: {  	_ =	shalt  }
0x82: {  	_ =	shalt  }
0x83: {  	_ =	shalt  }
0x84: {  	_ =	shalt  }
0x85: {  	_ =	shalt  }
0x86: {  	_ =	shalt  }
0x87: {  	_ =	shalt  }
.Lfunc_end0:
.L_simem_size_0:
called_computation_lowered:
.L_overlay_start_0:
0x88: {  	s2 =	sld [smem:$0x3FD9]  }
0x89: {  	s3 =	sld [smem:$0x3FFE];
	_ =	sdelay $0x1  }
0x8a: {  	s1 =	srdreg.scid  }
0x8b: {  	s0 =	sand.u32 $0x1, s1  }
0x8c: {  	s18 =	sshll.u32 s0, $0xA;
	s2 =	sadd.s32 s3, s2  }
0x8d: {  	s2 =	sadd.s32 s2, s18  }
0x8e: {  	[smem:$0x3FC1] =	sst s2  }
0x8f: {  	_ = 	snop  }
0x90: {  	s2 =	sld [smem:$0x3FC9]  }
0x91: {  	s19 =	sld [smem:$0x3FC8]  }
0x92: {  	s4 =	sld [smem:$0x3FC7]  }
0x93: {  	s5 =	sld [smem:$0x3FC6]  }
0x94: {  	s6 =	sld [smem:$0x3FC5]  }
0x95: {  	s7 =	sld [smem:$0x3FC4]  }
0x96: {  	s8 =	sld [smem:$0x3FC3]  }
0x97: {  	s9 =	sld [smem:$0x3FD0];
	(tm) =	ssettm $0x1  }
0x98: {  	s10 =	sld [smem:$0x3FFB];
	_ =	sdelay $0x3  }
0x99: {  	_ =	strace s10  }
0x9a: {  	s10 =	sld [smem:$0x3FFC];
	_ =	sdelay $0x3  }
0x9b: {  	_ =	strace s10  }
0x9c: {  	s10 =	sld [smem:$0x3FFD];
	_ =	sdelay $0x3  }
0x9d: {  	_ =	strace s10  }
0x9e: {  	_ =	strace $0x8FFFFFFF  }
0x9f: {  	s20 =	sld [smem:$0x3FDB];
	_ =	sdelay $0x1  }
0xa0: {  	s11 =	simm.s32 $_scs_section_size  }
0xa1: {  	s12 =	simm.s32 $_size__tile_overlayer_lowered;
	s13 =	simm.s32 $_tile_overlayer_lowered  }
0xa2: {  	s23 =	simm.s32 $0x1BFF;
	s22 =	sshll.u32 s13, $0x1;
	s10 =	sadd.s32 s11, s20  }
0xa3: {  	s14 =	simm.s32 $0x0;
	s21 =	sshll.u32 s12, $0x1;
	s12 =	sadd.s32 s22, s10  }
0xa4: {  	[timem:s14], [sflag:s23] =	dma.local [hbm:s12], s21  }
0xa5: {  	_ =	swait.ge [sflag:s23], s21  }
0xa6: {  	s11 =	ssub.s32 $0x0, s21;
	[sflag:s23] =	ssyncset.done $0x0  }
0xa7: {  	[sflag:s23] =	ssyncadd.s32 s11;
	_ =	sdelay $0x1  }
0xa8: {  	s24 =	simm.s32 $0x1B8B  }
0xa9: {  	_ =	swait.ge [sflag:s24], $0x1  }
0xaa: {  	[sflag:s24] =	ssyncset.done $0x0  }
0xab: {  	s25 =	simm.s32 $0x1B8E;
	[sflag:s24] =	ssyncadd.s32 $0xFFFFFFFF  }
0xac: {  	s26 =	simm.s32 $execute0_lowered;
	[smem:$0x3FD2] =	sst s25  }
0xad: {  	s11 =	sshll.u32 s26, $0x1;
	_ =	strace $0x80000046;
	[dreg:$0x1] =	wrdreg $0xFFFFFFFF  }
0xae: {  	s28 =	simm.s32 $_size_execute0_lowered;
	s10 =	sadd.s32 s10, s11;
	[dreg:$0x0] =	wrdreg $0x0  }
0xaf: {  	s11 =	sshll.u32 s28, $0x1;
	[dreg:$0x2] =	wrdreg s10  }
0xb0: {  	[dreg:$0x3] =	wrdreg s11  }
0xb1: {  	[dreg:$0x4] =	wrdreg $0xC0  }
0xb2: {  	_ =	task [dreg:s14], $0x5FFFF  }
0xb3: {  	[dreg:$0x1] =	wrdreg $0xFFFFFFFF  }
0xb4: {  	[dreg:$0x0] =	wrdreg $0x60  }
0xb5: {  	[dreg:$0x2] =	wrdreg s2  }
0xb6: {  	[dreg:$0x3] =	wrdreg s19  }
0xb7: {  	[dreg:$0x4] =	wrdreg s4  }
0xb8: {  	[dreg:$0x5] =	wrdreg s5  }
0xb9: {  	[dreg:$0x6] =	wrdreg s6  }
0xba: {  	[dreg:$0x7] =	wrdreg s7  }
0xbb: {  	[dreg:$0x8] =	wrdreg s8  }
0xbc: {  	[dreg:$0x9] =	wrdreg s9  }
0xbd: {  	[dreg:$0xa] =	wrdreg $0x9  }
0xbe: {  	_ =	task.clear_ibuf [dreg:s14], $0xBFFFF;
	_ =	strace $0x90000046  }
0xbf: {  	s29 =	simm.s32 $0x9;
	_ =	strace $0x80000048  }
0xc0: {  	_ =	swait.ge [sflag:s29], $0x1  }
0xc1: {  	[sflag:s29] =	ssyncadd.s32 $0xFFFFFFFF  }
0xc2: {  	_ =	strace $0x90000048  }
0xc3: {  	_ =	sfence  }
0xc4: {  	s30 =	sld [smem:$0x0];
	_ =	sdelay $0x2  }
0xc5: {  	s31 =	sshll.u32 s1, $0xD;
	s1 =	sshrl.u32 s1, $0x2  }
0xc6: {  	s3 =	sand.u32 $0x4000, s31;
	s1 =	sadd.s32 s1, s30  }
0xc7: {  	s0 =	sor.u32 s3, s0;
	s1 =	sshll.u32 s1, $0x11  }
0xc8: {  	s0 =	sor.u32 s1, s0  }
0xc9: {  	s0 =	sadd.s32 $0x8F2B, s0  }
0xca: {  	[sflag:s0] =	ssyncadd.remote.s32 $0x1  }
0xcb: {  	_ =	sfence.sel $0xFFFF  }
0xcc: {  	[dreg:$0x0] =	wrdreg $0xFFFFFFFF;
	(pc) =	sbr.abs _section_cstart, $3  }
0xcd: {  	[dreg:$0x1] =	wrdreg $0xFFFFFFFF  }
0xce: {  	_ =	task.clear_ibuf [dreg:s14], $0x2FFFF;
	_ =	strace $0x9FFFFFFF  }
0xcf: {  	(tm) =	ssettm $0x7FFFFFFF  }
tec
execute0_lowered:
.L_overlay_start_1:
0x0: {  	(tag) =	ssettag $0x1  }
0x1: {  	s0 =	rddreg [dreg:$0x0]  }
0x2: {  	s1 =	rddreg [dreg:$0x1]  }
0x3: {  	s2 =	rddreg [dreg:$0x2]  }
0x4: {  	s4 =	rddreg [dreg:$0x3]  }
0x5: {  	s5 =	rddreg [dreg:$0x4]  }
0x6: {  	s6 =	rddreg [dreg:$0x5]  }
0x7: {  	s7 =	rddreg [dreg:$0x6]  }
0x8: {  	s8 =	rddreg [dreg:$0x7]  }
0x9: {  	s10 =	srdreg.scid;
	s3 =	rddreg [dreg:$0x8];
	s9 =	simm.s32 $0x0  }
0xa: {  	s14 =	simm.s32 $0x2;
	s15 =	simm.s32 $0x6080;
	s16 =	simm.s32 $0x6100  }
0xb: {  	s17 =	simm.s32 $0x2000;
	s18 =	simm.s32 $0x4000;
	s19 =	simm.s32 $0x6180  }
0xc: {  	s20 =	simm.s32 $0x8180;
	s21 =	simm.s32 $0x1;
	s11 =	sand.u32 $0x1, s10  }
0xd: {  	s22 =	simm.s32 $0x0;
	[smem:$0x7FF] =	sst s9;
	s12 =	ssub.s32 $0x2, s11  }
0xe: {  	s10 =	stileid.u32;
	_ =	strace $0x80000047;
	s13 =	sshrl.u32 s12, $0x1  }
0xf: {  	v0 =	vimm.s32 $0x1F;
	v1 =	vimm.s32 $0x3F;
	v2 =	vimm.s32 $0x5F;
	s31 =	sshll.u32 s10, $0xD;
	s11 =	sshll.u32 s11, $0xC;
	s12 =	ssub.s32 s12, s13  }
0x10: {  	v3 =	vimm.s32 $0x7F;
	v4 =	vimm.s32 $0x0;
	v5 =	vimm.s32 $0x1;
	s11 =	sor.u32 s11, s31;
	s13 =	simm.s32 $0x6000;
	s12 =	smax.u32 s12, $0x1  }
.LBB2_1:
0x11: {  	[tilespmem:s13], [sflag:$0x2] =	stream.linear.gather [hbm4b:s4+s9], $0x80, $0x38;
	[tilespmem:$0xA180] =	vst v63  }
0x12: {  	_ =	swait.ge [sflag:s14], $0x80  }
0x13: {  	[sflag:s14] =	ssyncset.done $0x0  }
0x14: {  	[sflag:s14] =	ssyncadd.s32 $0xFFFFFF80  }
0x15: {  	[tilespmem:s15], [sflag:$0x2] =	stream.linear.gather [hbm4b:s5+s9], $0x80, $0x38;
	[tilespmem:$0xA180] =	vst v63  }
0x16: {  	_ =	swait.ge [sflag:s14], $0x80  }
0x17: {  	[sflag:s14] =	ssyncset.done $0x0  }
0x18: {  	[sflag:s14] =	ssyncadd.s32 $0xFFFFFF80  }
0x19: {  	[tilespmem:s16], [sflag:$0x2] =	stream.linear.gather [hbm4b:s6+s9], $0x80, $0x38;
	[tilespmem:$0xA180] =	vst v63  }
0x1a: {  	_ =	swait.ge [sflag:s14], $0x80  }
0x1b: {  	[sflag:s14] =	ssyncset.done $0x0  }
0x1c: {  	[sflag:s14] =	ssyncadd.s32 $0xFFFFFF80  }
0x1d: {  	v6 =	vld.idx.msk [tilespmem:v0+s13+$0x0], $0xffff  }
0x1e: {  	v7 =	vld.idx.msk [tilespmem:v1+s13+$0x0], $0xffff  }
0x1f: {  	v8 =	vld.idx.msk [tilespmem:v2+s13+$0x0], $0xffff  }
0x20: {  	v9 =	vld.idx.msk [tilespmem:v3+s13+$0x0], $0xffff  }
0x21: {  	v10 =	vld.idx.msk [tilespmem:v0+s15+$0x0], $0xffff  }
0x22: {  	v11 =	vld.idx.msk [tilespmem:v1+s15+$0x0], $0xffff  }
0x23: {  	v12 =	vld.idx.msk [tilespmem:v2+s15+$0x0], $0xffff  }
0x24: {  	v13 =	vld.idx.msk [tilespmem:v3+s15+$0x0], $0xffff  }
0x25: {  	v14 =	vld.idx.msk [tilespmem:v0+s16+$0x0], $0xffff  }
0x26: {  	v15 =	vld.idx.msk [tilespmem:v1+s16+$0x0], $0xffff  }
0x27: {  	v16 =	vld.idx.msk [tilespmem:v2+s16+$0x0], $0xffff  }
0x28: {  	s23 =	simm.s32 $0x0;
	v17 =	vld.idx.msk [tilespmem:v3+s16+$0x0], $0xffff  }
.LBB2_2:
0x29: {  	s24 =	sshll.u32 s23, $0xA  }
0x2a: {  	s24 =	sadd.s32 s11, s24  }
0x2b: {  	s25 =	simm.s32 $0x0;
	s26 =	sadd.s32 s0, s24  }
0x2c: {  	[tilespmem:s25], [sflag:$0x2] =	stream.linear.gather [hbm4b:s26+s25], $0x2000, $0x38;
	[tilespmem:$0xA180] =	vst v63  }
0x2d: {  	_ =	swait.ge [sflag:s14], $0x2000  }
0x2e: {  	[sflag:s14] =	ssyncset.done $0x0  }
0x2f: {  	s30 =	sadd.s32 s1, s24;
	[sflag:s14] =	ssyncadd.s32 $0xFFFFE000  }
0x30: {  	[tilespmem:s17], [sflag:$0x2] =	stream.linear.gather [hbm4b:s30+s25], $0x2000, $0x38;
	[tilespmem:$0xA180] =	vst v63  }
0x31: {  	_ =	swait.ge [sflag:s14], $0x2000  }
0x32: {  	[sflag:s14] =	ssyncset.done $0x0  }
0x33: {  	s31 =	sadd.s32 s2, s24;
	[sflag:s14] =	ssyncadd.s32 $0xFFFFE000  }
0x34: {  	[tilespmem:s18], [sflag:$0x2] =	stream.linear.gather [hbm4b:s31+s25], $0x2000, $0x38;
	[tilespmem:$0xA180] =	vst v63  }
0x35: {  	_ =	swait.ge [sflag:s14], $0x2000  }
0x36: {  	[sflag:s14] =	ssyncset.done $0x0  }
0x37: {  	[sflag:s14] =	ssyncadd.s32 $0xFFFFE000  }
.LBB2_3:
0x38: {  	s26 =	sshra.s32 s25, $0x2  }
0x39: {  	v18 =	vld [tilespmem:s26+$0x0]  }
0x3a: {  	v19 =	vld [tilespmem:s26+$0x2000]  }
0x3b: {  	v20 =	vld [tilespmem:s26+$0x4000];
	_ =	sdelay $0x4  }
0x3c: {  	vm0 =	vle.f32 v7, v18;
	vm11 =	vle.f32 v11, v19;
	vm1 =	vle.f32 v15, v20  }
0x3d: {  	v21 =	vsel vm0, $0x40, v4;
	v22 =	vsel vm0, v8, v6;
	v23 =	vsel vm11, $0x40, v4  }
0x3e: {  	v24 =	vsel vm11, v12, v10;
	v59 =	vsel vm1, $0x40, v4;
	v25 =	vsel vm1, v16, v14  }
0x3f: {  	vm0 =	vle.f32 v22, v18;
	v57 =	vor.u32 $0x20, v21;
	v58 =	vor.u32 $0x20, v23  }
0x40: {  	vm12 =	vle.f32 v25, v20;
	v60 =	vor.u32 $0x20, v59;
	v21 =	vsel vm0, v57, v21  }
0x41: {  	vm0 =	vle.f32 v24, v19;
	v24 =	vsel vm12, v60, v59;
	v22 =	vor.u32 $0xF, v21  }
0x42: {  	v23 =	vsel vm0, v58, v23;
	v25 =	vor.u32 $0xF, v24  }
0x43: {  	v26 =	vor.u32 $0xF, v23;
	_ =	sdelay $0x2  }
0x44: {  	v22 =	vld.idx.msk [tilespmem:v22+s13+$0x0], $0xffff  }
0x45: {  	v25 =	vld.idx.msk [tilespmem:v25+s16+$0x0], $0xffff  }
0x46: {  	v26 =	vld.idx.msk [tilespmem:v26+s15+$0x0], $0xffff;
	_ =	sdelay $0x2  }
0x47: {  	v61 =	vor.u32 $0x10, v21;
	v28 =	vor.u32 $0x10, v24;
	vm13 =	vle.f32 v22, v18  }
0x48: {  	v62 =	vor.u32 $0x10, v23;
	vm15 =	vle.f32 v25, v20;
	v21 =	vsel vm13, v61, v21  }
0x49: {  	vm14 =	vle.f32 v26, v19;
	v24 =	vsel vm15, v28, v24;
	v63 =	vor.u32 $0x7, v21  }
0x4a: {  	v22 =	vsel vm14, v62, v23;
	v25 =	vor.u32 $0x7, v24  }
0x4b: {  	v23 =	vor.u32 $0x7, v22;
	_ =	sdelay $0x2  }
0x4c: {  	v26 =	vld.idx.msk [tilespmem:v63+s13+$0x0], $0xffff  }
0x4d: {  	v25 =	vld.idx.msk [tilespmem:v25+s16+$0x0], $0xffff  }
0x4e: {  	v23 =	vld.idx.msk [tilespmem:v23+s15+$0x0], $0xffff;
	_ =	sdelay $0x2  }
0x4f: {  	v29 =	vor.u32 $0x8, v21;
	v31 =	vor.u32 $0x8, v24;
	vm4 =	vle.f32 v26, v18  }
0x50: {  	v30 =	vor.u32 $0x8, v22;
	vm6 =	vle.f32 v25, v20;
	v21 =	vsel vm4, v29, v21  }
0x51: {  	vm5 =	vle.f32 v23, v19;
	v24 =	vsel vm6, v31, v24;
	v26 =	vadd.s32 $0x3, v21  }
0x52: {  	v22 =	vsel vm5, v30, v22;
	v25 =	vadd.s32 $0x3, v24  }
0x53: {  	v23 =	vadd.s32 $0x3, v22;
	_ =	sdelay $0x2  }
0x54: {  	v26 =	vld.idx.msk [tilespmem:v26+s13+$0x0], $0xffff  }
0x55: {  	v25 =	vld.idx.msk [tilespmem:v25+s16+$0x0], $0xffff  }
0x56: {  	v23 =	vld.idx.msk [tilespmem:v23+s15+$0x0], $0xffff;
	_ =	sdelay $0x2  }
0x57: {  	v32 =	vadd.s32 $0x4, v21;
	v34 =	vadd.s32 $0x4, v24;
	vm7 =	vle.f32 v26, v18  }
0x58: {  	v33 =	vadd.s32 $0x4, v22;
	vm9 =	vle.f32 v25, v20;
	v21 =	vsel vm7, v32, v21  }
0x59: {  	vm8 =	vle.f32 v23, v19;
	v24 =	vsel vm9, v34, v24;
	v26 =	vadd.s32 $0x1, v21  }
0x5a: {  	v22 =	vsel vm8, v33, v22;
	v25 =	vadd.s32 $0x1, v24  }
0x5b: {  	v23 =	vadd.s32 $0x1, v22;
	_ =	sdelay $0x2  }
0x5c: {  	v26 =	vld.idx.msk [tilespmem:v26+s13+$0x0], $0xffff  }
0x5d: {  	v25 =	vld.idx.msk [tilespmem:v25+s16+$0x0], $0xffff  }
0x5e: {  	v23 =	vld.idx.msk [tilespmem:v23+s15+$0x0], $0xffff;
	_ =	sdelay $0x2  }
0x5f: {  	v35 =	vadd.s32 $0x2, v21;
	vm10 =	vle.f32 v26, v18  }
0x60: {  	v42 =	vld [tilespmem:s26+$0x10];
	v37 =	vadd.s32 $0x2, v24;
	vm12 =	vle.f32 v25, v20;
	v21 =	vsel vm10, v35, v21  }
0x61: {  	v36 =	vadd.s32 $0x2, v22;
	vm11 =	vle.f32 v23, v19;
	v23 =	vsel vm12, v37, v24  }
0x62: {  	v43 =	vld [tilespmem:s26+$0x2010];
	v22 =	vsel vm11, v36, v22  }
0x63: {  	v46 =	vld [tilespmem:s26+$0x4010];
	_ =	sdelay $0x1  }
0x64: {  	vm15 =	vle.f32 v9, v18;
	vm6 =	vle.f32 v7, v42;
	v38 =	vld.idx.msk [tilespmem:v21+s13+$0x0], $0xffff  }
0x65: {  	vm5 =	vle.f32 v13, v19;
	v47 =	vsel vm6, $0x40, v4;
	v48 =	vsel vm6, v8, v6;
	v40 =	vld.idx.msk [tilespmem:v23+s16+$0x0], $0xffff  }
0x66: {  	v51 =	vor.u32 $0x20, v47;
	vm7 =	vle.f32 v11, v43;
	vm9 =	vle.f32 v48, v42;
	v39 =	vld.idx.msk [tilespmem:v22+s15+$0x0], $0xffff  }
0x67: {  	vm8 =	vle.f32 v17, v20;
	v50 =	vsel vm7, $0x40, v4;
	vm11 =	vle.f32 v15, v46  }
0x68: {  	v27 =	vsel vm7, v12, v10;
	v54 =	vsel vm11, $0x40, v4;
	v55 =	vsel vm11, v16, v14  }
0x69: {  	v52 =	vor.u32 $0x20, v50;
	vm0 =	vle.f32 v55, v46;
	v56 =	vor.u32 $0x20, v54  }
0x6a: {  	vm10 =	vle.f32 v27, v43;
	v26 =	vsel vm0, v56, v54;
	vm13 =	vle.f32 v38, v18  }
0x6b: {  	vm4 =	vle.f32 v40, v20;
	v24 =	vsel vm13, $0x1, v4;
	vm14 =	vle.f32 v39, v19  }
0x6c: {  	v44 =	vsel vm4, $0x1, v4;
	v21 =	vadd.s32 v24, v21;
	v41 =	vsel vm14, $0x1, v4  }
0x6d: {  	v45 =	vadd.s32 v44, v23;
	v18 =	vadd.s32 v41, v22;
	v21 =	vmax.u32 v21, $0x1  }
0x6e: {  	v24 =	vsel vm9, v51, v47;
	v18 =	vmax.u32 v18, $0x1;
	v19 =	vshll.u32 v21, $0x7  }
0x6f: {  	v53 =	vor.u32 $0xF, v24;
	v18 =	vsub.s32 v18, v5;
	v19 =	vadd.s32 $0xFFFFFF80, v19  }
0x70: {  	v21 =	vmax.u32 v45, $0x1;
	v18 =	vsel vm5, $0x7F, v18;
	v19 =	vsel vm15, $0x3F80, v19  }
0x71: {  	v57 =	vor.u32 $0xF, v26;
	v49 =	vsub.s32 v21, v5;
	v18 =	vadd.s32 v19, v18  }
0x72: {  	v20 =	vsel vm8, $0x7F, v49;
	v19 =	vsel vm10, v52, v50;
	v18 =	vshll.u32 v18, $0x7  }
0x73: {  	v28 =	vor.u32 $0xF, v19;
	v18 =	vadd.s32 v18, v20  }
0x74: {  	[tilespmem:s26+$0x6180] =	vst v18  }
0x75: {  	v18 =	vld.idx.msk [tilespmem:v53+s13+$0x0], $0xffff  }
0x76: {  	v20 =	vld.idx.msk [tilespmem:v57+s16+$0x0], $0xffff;
	_ =	sdelay $0x1  }
0x77: {  	v58 =	vld.idx.msk [tilespmem:v28+s15+$0x0], $0xffff;
	_ =	sdelay $0x1  }
0x78: {  	vm12 =	vle.f32 v18, v42;
	v18 =	vor.u32 $0x10, v24  }
0x79: {  	v60 =	vor.u32 $0x10, v26;
	vm14 =	vle.f32 v20, v46;
	v18 =	vsel vm12, v18, v24  }
0x7a: {  	v20 =	vsel vm14, v60, v26;
	v24 =	vor.u32 $0x7, v18  }
0x7b: {  	v59 =	vor.u32 $0x10, v19;
	vm13 =	vle.f32 v58, v43;
	v26 =	vor.u32 $0x7, v20  }
0x7c: {  	v19 =	vsel vm13, v59, v19  }
0x7d: {  	v21 =	vor.u32 $0x7, v19;
	_ =	sdelay $0x1  }
0x7e: {  	v24 =	vld.idx.msk [tilespmem:v24+s13+$0x0], $0xffff  }
0x7f: {  	v26 =	vld.idx.msk [tilespmem:v26+s16+$0x0], $0xffff;
	_ =	sdelay $0x1  }
0x80: {  	v21 =	vld.idx.msk [tilespmem:v21+s15+$0x0], $0xffff;
	_ =	sdelay $0x1  }
0x81: {  	v61 =	vor.u32 $0x8, v18;
	vm15 =	vle.f32 v24, v42  }
0x82: {  	v63 =	vor.u32 $0x8, v20;
	vm5 =	vle.f32 v26, v46;
	v18 =	vsel vm15, v61, v18  }
0x83: {  	v20 =	vsel vm5, v63, v20;
	v24 =	vadd.s32 $0x3, v18  }
0x84: {  	v62 =	vor.u32 $0x8, v19;
	vm4 =	vle.f32 v21, v43;
	v26 =	vadd.s32 $0x3, v20  }
0x85: {  	v19 =	vsel vm4, v62, v19  }
0x86: {  	v21 =	vadd.s32 $0x3, v19;
	_ =	sdelay $0x1  }
0x87: {  	v24 =	vld.idx.msk [tilespmem:v24+s13+$0x0], $0xffff  }
0x88: {  	v26 =	vld.idx.msk [tilespmem:v26+s16+$0x0], $0xffff;
	_ =	sdelay $0x1  }
0x89: {  	v21 =	vld.idx.msk [tilespmem:v21+s15+$0x0], $0xffff;
	_ =	sdelay $0x1  }
0x8a: {  	v28 =	vadd.s32 $0x4, v18;
	vm6 =	vle.f32 v24, v42  }
0x8b: {  	v30 =	vadd.s32 $0x4, v20;
	vm8 =	vle.f32 v26, v46;
	v18 =	vsel vm6, v28, v18  }
0x8c: {  	v20 =	vsel vm8, v30, v20;
	v24 =	vadd.s32 $0x1, v18  }
0x8d: {  	v29 =	vadd.s32 $0x4, v19;
	vm7 =	vle.f32 v21, v43;
	v26 =	vadd.s32 $0x1, v20  }
0x8e: {  	v19 =	vsel vm7, v29, v19  }
0x8f: {  	v21 =	vadd.s32 $0x1, v19;
	_ =	sdelay $0x1  }
0x90: {  	v24 =	vld.idx.msk [tilespmem:v24+s13+$0x0], $0xffff  }
0x91: {  	v26 =	vld.idx.msk [tilespmem:v26+s16+$0x0], $0xffff;
	_ =	sdelay $0x1  }
0x92: {  	v21 =	vld.idx.msk [tilespmem:v21+s15+$0x0], $0xffff;
	_ =	sdelay $0x1  }
0x93: {  	v31 =	vadd.s32 $0x2, v18;
	vm9 =	vle.f32 v24, v42  }
0x94: {  	v38 =	vld [tilespmem:s26+$0x20];
	v33 =	vadd.s32 $0x2, v20;
	vm11 =	vle.f32 v26, v46;
	v18 =	vsel vm9, v31, v18  }
0x95: {  	v39 =	vld [tilespmem:s26+$0x2020];
	v20 =	vsel vm11, v33, v20  }
0x96: {  	v41 =	vld [tilespmem:s26+$0x4020];
	v32 =	vadd.s32 $0x2, v19;
	vm10 =	vle.f32 v21, v43  }
0x97: {  	v19 =	vsel vm10, v32, v19;
	_ =	sdelay $0x1  }
0x98: {  	v34 =	vld.idx.msk [tilespmem:v18+s13+$0x0], $0xffff  }
0x99: {  	vm14 =	vle.f32 v9, v42;
	vm5 =	vle.f32 v7, v38;
	vm6 =	vle.f32 v11, v39;
	v36 =	vld.idx.msk [tilespmem:v20+s16+$0x0], $0xffff  }
0x9a: {  	vm4 =	vle.f32 v13, v43;
	v44 =	vsel vm6, $0x40, v4;
	vm10 =	vle.f32 v15, v41  }
0x9b: {  	v45 =	vsel vm6, v12, v10;
	v49 =	vsel vm10, $0x40, v4;
	v50 =	vsel vm10, v16, v14;
	v35 =	vld.idx.msk [tilespmem:v19+s15+$0x0], $0xffff  }
0x9c: {  	vm7 =	vle.f32 v17, v46;
	vm0 =	vle.f32 v50, v41;
	v52 =	vor.u32 $0x20, v49  }
0x9d: {  	v47 =	vor.u32 $0x20, v44;
	vm9 =	vle.f32 v45, v39;
	v26 =	vsel vm0, v52, v49  }
0x9e: {  	v53 =	vor.u32 $0xF, v26;
	vm12 =	vle.f32 v34, v42;
	vm15 =	vle.f32 v36, v46  }
0x9f: {  	v42 =	vsel vm5, $0x40, v4;
	v21 =	vsel vm12, $0x1, v4;
	v40 =	vsel vm15, $0x1, v4  }
0xa0: {  	v46 =	vor.u32 $0x20, v42;
	vm13 =	vle.f32 v35, v43;
	v18 =	vadd.s32 v21, v18  }
0xa1: {  	v20 =	vadd.s32 v40, v20;
	v43 =	vsel vm5, v8, v6;
	v37 =	vsel vm13, $0x1, v4  }
0xa2: {  	v18 =	vmax.u32 v18, $0x1;
	v20 =	vmax.u32 v20, $0x1;
	v19 =	vadd.s32 v37, v19  }
0xa3: {  	vm8 =	vle.f32 v43, v38;
	v18 =	vshll.u32 v18, $0x7;
	v19 =	vmax.u32 v19, $0x1  }
0xa4: {  	v25 =	vsel vm8, v46, v42;
	v18 =	vadd.s32 $0xFFFFFF80, v18;
	v19 =	vsub.s32 v19, v5  }
0xa5: {  	v48 =	vor.u32 $0xF, v25;
	v18 =	vsel vm14, $0x3F80, v18;
	v19 =	vsel vm4, $0x7F, v19  }
0xa6: {  	v20 =	vsub.s32 v20, v5;
	v18 =	vadd.s32 v18, v19;
	v19 =	vsel vm9, v47, v44  }
0xa7: {  	v20 =	vsel vm7, $0x7F, v20;
	v51 =	vor.u32 $0xF, v19;
	v18 =	vshll.u32 v18, $0x7  }
0xa8: {  	v18 =	vadd.s32 v18, v20  }
0xa9: {  	[tilespmem:s26+$0x6190] =	vst v18  }
0xaa: {  	v18 =	vld.idx.msk [tilespmem:v48+s13+$0x0], $0xffff  }
0xab: {  	v20 =	vld.idx.msk [tilespmem:v53+s16+$0x0], $0xffff  }
0xac: {  	v54 =	vld.idx.msk [tilespmem:v51+s15+$0x0], $0xffff;
	_ =	sdelay $0x2  }
0xad: {  	v56 =	vor.u32 $0x10, v26;
	vm11 =	vle.f32 v18, v38;
	v18 =	vor.u32 $0x10, v25  }
0xae: {  	v55 =	vor.u32 $0x10, v19;
	vm13 =	vle.f32 v20, v41;
	v18 =	vsel vm11, v18, v25  }
0xaf: {  	v20 =	vsel vm13, v56, v26;
	vm12 =	vle.f32 v54, v39;
	v25 =	vor.u32 $0x7, v18  }
0xb0: {  	v26 =	vor.u32 $0x7, v20;
	v19 =	vsel vm12, v55, v19  }
0xb1: {  	v23 =	vor.u32 $0x7, v19;
	_ =	sdelay $0x2  }
0xb2: {  	v25 =	vld.idx.msk [tilespmem:v25+s13+$0x0], $0xffff  }
0xb3: {  	v26 =	vld.idx.msk [tilespmem:v26+s16+$0x0], $0xffff  }
0xb4: {  	v23 =	vld.idx.msk [tilespmem:v23+s15+$0x0], $0xffff;
	_ =	sdelay $0x2  }
0xb5: {  	v57 =	vor.u32 $0x8, v18;
	v59 =	vor.u32 $0x8, v20;
	vm14 =	vle.f32 v25, v38  }
0xb6: {  	v58 =	vor.u32 $0x8, v19;
	vm4 =	vle.f32 v26, v41;
	v18 =	vsel vm14, v57, v18  }
0xb7: {  	v20 =	vsel vm4, v59, v20;
	vm15 =	vle.f32 v23, v39;
	v25 =	vadd.s32 $0x3, v18  }
0xb8: {  	v26 =	vadd.s32 $0x3, v20;
	v19 =	vsel vm15, v58, v19  }
0xb9: {  	v23 =	vadd.s32 $0x3, v19;
	_ =	sdelay $0x2  }
0xba: {  	v25 =	vld.idx.msk [tilespmem:v25+s13+$0x0], $0xffff  }
0xbb: {  	v26 =	vld.idx.msk [tilespmem:v26+s16+$0x0], $0xffff  }
0xbc: {  	v23 =	vld.idx.msk [tilespmem:v23+s15+$0x0], $0xffff;
	_ =	sdelay $0x2  }
0xbd: {  	v60 =	vadd.s32 $0x4, v18;
	v62 =	vadd.s32 $0x4, v20;
	vm5 =	vle.f32 v25, v38  }
0xbe: {  	v61 =	vadd.s32 $0x4, v19;
	vm7 =	vle.f32 v26, v41;
	v18 =	vsel vm5, v60, v18  }
0xbf: {  	v20 =	vsel vm7, v62, v20;
	vm6 =	vle.f32 v23, v39;
	v25 =	vadd.s32 $0x1, v18  }
0xc0: {  	v26 =	vadd.s32 $0x1, v20;
	v19 =	vsel vm6, v61, v19  }
0xc1: {  	v23 =	vadd.s32 $0x1, v19;
	_ =	sdelay $0x2  }
0xc2: {  	v25 =	vld.idx.msk [tilespmem:v25+s13+$0x0], $0xffff  }
0xc3: {  	v26 =	vld.idx.msk [tilespmem:v26+s16+$0x0], $0xffff  }
0xc4: {  	v23 =	vld.idx.msk [tilespmem:v23+s15+$0x0], $0xffff;
	_ =	sdelay $0x2  }
0xc5: {  	v63 =	vadd.s32 $0x2, v18;
	vm8 =	vle.f32 v25, v38  }
0xc6: {  	v27 =	vadd.s32 $0x2, v20;
	vm10 =	vle.f32 v26, v41;
	v18 =	vsel vm8, v63, v18  }
0xc7: {  	v32 =	vld [tilespmem:s26+$0x30];
	v25 =	vadd.s32 $0x2, v19;
	v20 =	vsel vm10, v27, v20;
	vm9 =	vle.f32 v23, v39  }
0xc8: {  	v19 =	vsel vm9, v25, v19  }
0xc9: {  	v33 =	vld [tilespmem:s26+$0x2030]  }
0xca: {  	v35 =	vld [tilespmem:s26+$0x4030]  }
0xcb: {  	v28 =	vld.idx.msk [tilespmem:v18+s13+$0x0], $0xffff  }
0xcc: {  	vm13 =	vle.f32 v9, v38;
	vm4 =	vle.f32 v7, v32;
	v30 =	vld.idx.msk [tilespmem:v20+s16+$0x0], $0xffff  }
0xcd: {  	v36 =	vsel vm4, $0x40, v4;
	v37 =	vsel vm4, v8, v6;
	vm15 =	vle.f32 v13, v39;
	v29 =	vld.idx.msk [tilespmem:v19+s15+$0x0], $0xffff  }
0xce: {  	v40 =	vor.u32 $0x20, v36;
	vm5 =	vle.f32 v11, v33;
	vm7 =	vle.f32 v37, v32  }
0xcf: {  	v24 =	vsel vm7, v40, v36;
	vm6 =	vle.f32 v17, v41;
	vm9 =	vle.f32 v15, v35  }
0xd0: {  	v42 =	vor.u32 $0xF, v24;
	v43 =	vsel vm9, $0x40, v4;
	v44 =	vsel vm9, v16, v14  }
0xd1: {  	vm0 =	vle.f32 v44, v35;
	vm11 =	vle.f32 v28, v38;
	vm14 =	vle.f32 v30, v41  }
0xd2: {  	v38 =	vsel vm5, $0x40, v4;
	v23 =	vsel vm11, $0x1, v4;
	vm12 =	vle.f32 v29, v39  }
0xd3: {  	v34 =	vsel vm14, $0x1, v4;
	v18 =	vadd.s32 v23, v18;
	v31 =	vsel vm12, $0x1, v4  }
0xd4: {  	v41 =	vor.u32 $0x20, v38;
	v18 =	vmax.u32 v18, $0x1;
	v19 =	vadd.s32 v31, v19  }
0xd5: {  	v20 =	vadd.s32 v34, v20;
	v18 =	vshll.u32 v18, $0x7;
	v19 =	vmax.u32 v19, $0x1  }
0xd6: {  	v39 =	vsel vm5, v12, v10;
	v18 =	vadd.s32 $0xFFFFFF80, v18;
	v19 =	vsub.s32 v19, v5  }
0xd7: {  	vm8 =	vle.f32 v39, v33;
	v18 =	vsel vm13, $0x3F80, v18;
	v19 =	vsel vm15, $0x7F, v19  }
0xd8: {  	v20 =	vmax.u32 v20, $0x1;
	v18 =	vadd.s32 v18, v19;
	v19 =	vsel vm8, v41, v38  }
0xd9: {  	v46 =	vor.u32 $0x20, v43;
	v20 =	vsub.s32 v20, v5;
	v45 =	vor.u32 $0xF, v19  }
0xda: {  	v26 =	vsel vm0, v46, v43;
	v20 =	vsel vm6, $0x7F, v20;
	v18 =	vshll.u32 v18, $0x7  }
0xdb: {  	v47 =	vor.u32 $0xF, v26;
	v18 =	vadd.s32 v18, v20  }
0xdc: {  	[tilespmem:s26+$0x61A0] =	vst v18  }
0xdd: {  	v18 =	vld.idx.msk [tilespmem:v42+s13+$0x0], $0xffff  }
0xde: {  	v48 =	vld.idx.msk [tilespmem:v45+s15+$0x0], $0xffff;
	_ =	sdelay $0x1  }
0xdf: {  	v20 =	vld.idx.msk [tilespmem:v47+s16+$0x0], $0xffff;
	_ =	sdelay $0x1  }
0xe0: {  	vm10 =	vle.f32 v18, v32;
	v18 =	vor.u32 $0x10, v24  }
0xe1: {  	v49 =	vor.u32 $0x10, v19;
	v18 =	vsel vm10, v18, v24;
	vm11 =	vle.f32 v48, v33  }
0xe2: {  	v24 =	vor.u32 $0x7, v18;
	v19 =	vsel vm11, v49, v19  }
0xe3: {  	v50 =	vor.u32 $0x10, v26;
	vm12 =	vle.f32 v20, v35;
	v22 =	vor.u32 $0x7, v19  }
0xe4: {  	v20 =	vsel vm12, v50, v26  }
0xe5: {  	v26 =	vor.u32 $0x7, v20;
	_ =	sdelay $0x1  }
0xe6: {  	v24 =	vld.idx.msk [tilespmem:v24+s13+$0x0], $0xffff  }
0xe7: {  	v22 =	vld.idx.msk [tilespmem:v22+s15+$0x0], $0xffff;
	_ =	sdelay $0x1  }
0xe8: {  	v26 =	vld.idx.msk [tilespmem:v26+s16+$0x0], $0xffff;
	_ =	sdelay $0x1  }
0xe9: {  	v51 =	vor.u32 $0x8, v18;
	vm13 =	vle.f32 v24, v32  }
0xea: {  	v52 =	vor.u32 $0x8, v19;
	v18 =	vsel vm13, v51, v18;
	vm14 =	vle.f32 v22, v33  }
0xeb: {  	v24 =	vadd.s32 $0x3, v18;
	v19 =	vsel vm14, v52, v19  }
0xec: {  	v53 =	vor.u32 $0x8, v20;
	vm15 =	vle.f32 v26, v35;
	v22 =	vadd.s32 $0x3, v19  }
0xed: {  	v20 =	vsel vm15, v53, v20  }
0xee: {  	v26 =	vadd.s32 $0x3, v20;
	_ =	sdelay $0x1  }
0xef: {  	v24 =	vld.idx.msk [tilespmem:v24+s13+$0x0], $0xffff  }
0xf0: {  	v22 =	vld.idx.msk [tilespmem:v22+s15+$0x0], $0xffff;
	_ =	sdelay $0x1  }
0xf1: {  	v26 =	vld.idx.msk [tilespmem:v26+s16+$0x0], $0xffff;
	_ =	sdelay $0x1  }
0xf2: {  	v54 =	vadd.s32 $0x4, v18;
	vm4 =	vle.f32 v24, v32  }
0xf3: {  	v55 =	vadd.s32 $0x4, v19;
	v18 =	vsel vm4, v54, v18;
	vm5 =	vle.f32 v22, v33  }
0xf4: {  	v24 =	vadd.s32 $0x1, v18;
	v19 =	vsel vm5, v55, v19  }
0xf5: {  	v56 =	vadd.s32 $0x4, v20;
	vm6 =	vle.f32 v26, v35;
	v22 =	vadd.s32 $0x1, v19  }
0xf6: {  	v20 =	vsel vm6, v56, v20  }
0xf7: {  	v26 =	vadd.s32 $0x1, v20;
	_ =	sdelay $0x1  }
0xf8: {  	v24 =	vld.idx.msk [tilespmem:v24+s13+$0x0], $0xffff  }
0xf9: {  	v22 =	vld.idx.msk [tilespmem:v22+s15+$0x0], $0xffff;
	_ =	sdelay $0x1  }
0xfa: {  	v26 =	vld.idx.msk [tilespmem:v26+s16+$0x0], $0xffff;
	_ =	sdelay $0x1  }
0xfb: {  	v57 =	vadd.s32 $0x2, v18;
	vm7 =	vle.f32 v24, v32  }
0xfc: {  	v58 =	vadd.s32 $0x2, v19;
	v18 =	vsel vm7, v57, v18;
	vm8 =	vle.f32 v22, v33  }
0xfd: {  	v19 =	vsel vm8, v58, v19  }
0xfe: {  	v59 =	vadd.s32 $0x2, v20;
	vm9 =	vle.f32 v26, v35  }
0xff: {  	v20 =	vsel vm9, v59, v20;
	_ =	sdelay $0x1  }
0x100: {  	v60 =	vld.idx.msk [tilespmem:v18+s13+$0x0], $0xffff  }
0x101: {  	v61 =	vld.idx.msk [tilespmem:v19+s15+$0x0], $0xffff;
	_ =	sdelay $0x1  }
0x102: {  	v62 =	vld.idx.msk [tilespmem:v20+s16+$0x0], $0xffff;
	_ =	sdelay $0x1  }
0x103: {  	vm10 =	vle.f32 v60, v32  }
0x104: {  	vm13 =	vle.f32 v9, v32;
	v22 =	vsel vm10, $0x1, v4;
	vm11 =	vle.f32 v61, v33  }
0x105: {  	vm14 =	vle.f32 v13, v33;
	v18 =	vadd.s32 v22, v18;
	v24 =	vsel vm11, $0x1, v4  }
0x106: {  	vm12 =	vle.f32 v62, v35;
	v18 =	vmax.u32 v18, $0x1;
	v19 =	vadd.s32 v24, v19  }
0x107: {  	v63 =	vsel vm12, $0x1, v4;
	v18 =	vshll.u32 v18, $0x7;
	v19 =	vmax.u32 v19, $0x1  }
0x108: {  	p0 =	sne.s32 s25, $0x7F00;
	v20 =	vadd.s32 v63, v20;
	v18 =	vadd.s32 $0xFFFFFF80, v18;
	v19 =	vsub.s32 v19, v5  }
.Ltmp0:
0x109: {  	v20 =	vmax.u32 v20, $0x1;
	v18 =	vsel vm13, $0x3F80, v18;
	v19 =	vsel vm14, $0x7F, v19;
	(pc) =	sbr.rel @p0 .LBB2_3-.Ltmp0, $4  }
0x10a: {  	vm15 =	vle.f32 v17, v35;
	v20 =	vsub.s32 v20, v5;
	v18 =	vadd.s32 v18, v19  }
0x10b: {  	v19 =	vsel vm15, $0x7F, v20;
	v18 =	vshll.u32 v18, $0x7  }
0x10c: {  	v18 =	vadd.s32 v18, v19  }
0x10d: {  	s25 =	sadd.s32 $0x100, s25;
	[tilespmem:s26+$0x61B0] =	vst v18  }
0x10e: {  	[tilespmem:s20], [sflag:$0x1] =	stream.indirect.gather [hbm4b:s7+s17], $0x1, s19, s17, $0xb8;
	[tilespmem:$0xA180] =	vst v63  }
0x10f: {  	s23 =	sadd.s32 $0x1, s23;
	_ =	swait.ge [sflag:s21], $0x2000  }
0x110: {  	p0 =	sne.s32 s23, $0x4;
	[sflag:s21] =	ssyncset.done $0x0  }
.Ltmp1:
0x111: {  	s24 =	sadd.s32 s8, s24;
	[sflag:s21] =	ssyncadd.s32 $0xFFFFE000;
	(pc) =	sbr.rel @p0 .LBB2_2-.Ltmp1, $4  }
0x112: {  	[hbm4b:s24+s9] =	stream.linear.scatter [tilespmem:s20], [sflag:$0x2], $0x2000, $0x38;
	[tilespmem:$0xA180] =	vst v63  }
0x113: {  	_ =	swait.ge [sflag:s14], $0x2000  }
0x114: {  	[sflag:s14] =	ssyncset.done $0x0  }
0x115: {  	[sflag:s14] =	ssyncadd.s32 $0xFFFFE000  }
0x116: {  	s22 =	sadd.s32 $0x1, s22  }
0x117: {  	p0 =	sne.s32 s22, s12  }
.Ltmp2:
0x118: {  	_ = 	snop;
	(pc) =	sbr.rel @p0 .LBB2_1-.Ltmp2, $1  }
0x119: {  	_ =	sdelay $0x3  }
0x11a: {  	_ =	sfence.sel $0x180000  }
0x11b: {  	[bflag:$0x0] =	sbarrier.arrive $0xFFFF  }
0x11c: {  	p0 =	sne.s32 s10, $0x0;
	_ =	strace $0x90000047  }
0x11d: {  	s0 =	sadd.s32 @!p0 $0x100000, s3;
	[bflag:$0x2] =	sbarrier.arrive $0xFFFF  }
0x11e: {  	[sflag:s0] =	ssyncadd.tile.s32 @!p0 $0x1;
	_ =	shalt  }
.Lfunc_end2:
_tile_overlayer_lowered:
.L_overlay_start_2:
0x11f: {  	(tag) =	ssettag $0x2  }
0x120: {  	s0 =	rddreg [dreg:$0x0];
	s2 =	stileid.u32  }
0x121: {  	s1 =	rddreg [dreg:$0x1];
	p0 =	sne.s32 s2, $0x0  }
0x122: {  	s3 =	rddreg [dreg:$0x2];
	[bflag:$0x3] =	sbarrier.arrive $0xFFFF;
	s2 =	simm.s32 @!p0 $0x1C02  }
0x123: {  	[timem:s3], [sflag:s2] =	dma.local @!p0 [hbm:s0], s1  }
0x124: {  	s0 =	simm.s32 @!p0 $0x2  }
0x125: {  	_ =	swait.ge @!p0 [sflag:s0], s1  }
0x126: {  	s1 =	ssub.s32 @!p0 $0x0, s1;
	[sflag:s0] =	ssyncset.done @!p0 $0x0  }
0x127: {  	[sflag:s0] =	ssyncadd.s32 @!p0 s1  }
0x128: {  	[bflag:$0x3] =	sbarrier.arrive $0xFFFF  }
0x129: {  	_ =	shalt  }

</sc_bundles>
